<compile_context>
chip_gen: v7x
topology: tpu7x:2x2x1
jax: 0.10.2.dev20260603
libtpu: 0.0.44.dev20260713+nightly
codegen_flags: <defaults>
</compile_context>

<pallas_src>
import functools

import jax
import jax.numpy as jnp
from jax import lax
from jax.experimental import pallas as pl
from jax.experimental.pallas import tpu as pltpu
from jax.experimental.pallas import tpu_sc as plsc

REG_WEIGHT_ = 0.01
NC = 2
NS = 16
NW = NC * NS
CW = 128
BIG_CORE = 0
BIG_FRAC = 0.507


def _tables_body(x_ref, w_ref, b_ref, pq_ref):
    d = x_ref.shape[1]
    x = x_ref[...]
    p = jnp.dot(x, w_ref[:d, :], preferred_element_type=jnp.float32) + b_ref[...]
    q = jnp.dot(x, w_ref[d:, :], preferred_element_type=jnp.float32)
    pq_ref[...] = jnp.concatenate([p, q], axis=1)


def _combine_body(n_nodes, n_edges, y_ref, t_ref, part_ref, o_ref):
    base = jnp.sum(jnp.abs(y_ref[...] - t_ref[...]))
    l1 = jnp.sum(part_ref[...])
    total = base / n_nodes + REG_WEIGHT_ * (l1 / n_edges)
    o_ref[...] = jnp.reshape(total, (1, 1))


def _make_edge_l1(n_edges, msg_dim):
    total_chunks = n_edges // CW
    nch_big = int(total_chunks * BIG_FRAC / NS) // 2 * 2
    small_total = total_chunks - NS * nch_big
    nch_small = small_total // NS // 2 * 2
    extra2 = (small_total - NS * nch_small) // 2
    assert nch_small * NS + 2 * extra2 == small_total and extra2 <= NS
    stage_max = max(nch_big, nch_small + (2 if extra2 else 0)) * CW

    mesh = plsc.VectorSubcoreMesh(core_axis_name="c", subcore_axis_name="s")
    assert (NW * msg_dim) % 128 == 0

    @functools.partial(
        pl.kernel,
        mesh=mesh,
        out_type=jax.ShapeDtypeStruct((NW * msg_dim // 128, 128), jnp.float32),
        compiler_params=pltpu.CompilerParams(use_tc_tiling_on_sc=False),
        scratch_types=[
            pltpu.VMEM((stage_max,), jnp.int32),
            pltpu.VMEM((stage_max,), jnp.int32),
            pltpu.VMEM((CW, msg_dim), jnp.float32),
            pltpu.VMEM((CW, msg_dim), jnp.float32),
            pltpu.VMEM((CW, msg_dim), jnp.float32),
            pltpu.VMEM((CW, msg_dim), jnp.float32),
            pltpu.VMEM((msg_dim,), jnp.float32),
            pltpu.SemaphoreType.DMA,
            pltpu.SemaphoreType.DMA,
            pltpu.SemaphoreType.DMA,
            pltpu.SemaphoreType.DMA,
        ],
    )
    def edge_l1(t_hbm, ei_hbm, out_hbm,
                sidx, didx, pbuf0, qbuf0, pbuf1, qbuf1, accv,
                sem_p0, sem_q0, sem_p1, sem_q1):
        c = lax.axis_index("c")
        s = lax.axis_index("s")
        wid = s * NC + c
        is_big = c == BIG_CORE
        nc_mine = jnp.where(is_big, nch_big,
                            jnp.where(s < extra2, nch_small + 2, nch_small))
        start_chunk = jnp.where(
            is_big, small_total + s * nch_big,
            s * nch_small + 2 * jnp.minimum(s, extra2))
        e0 = start_chunk * CW
        stage_start = jnp.minimum(e0, n_edges - stage_max)
        off = e0 - stage_start
        pltpu.sync_copy(ei_hbm.at[0, pl.ds(stage_start, stage_max)], sidx)
        pltpu.sync_copy(ei_hbm.at[1, pl.ds(stage_start, stage_max)], didx)

        def issue(k, pb, qb, sp, sq):
            pltpu.async_copy(t_hbm.at[sidx.at[pl.ds(off + k * CW, CW)]], pb, sp)
            pltpu.async_copy(t_hbm.at[didx.at[pl.ds(off + k * CW, CW)]], qb, sq)

        def drain(k, pb, qb, sp, sq):
            pltpu.make_async_copy(t_hbm.at[sidx.at[pl.ds(off + k * CW, CW)]], pb, sp).wait()
            pltpu.make_async_copy(t_hbm.at[didx.at[pl.ds(off + k * CW, CW)]], qb, sq).wait()

        def accum(pb, qb, acc):
            def lane_body(i, carry):
                a0, a1 = carry
                j = i * 2
                a0 = a0 + jnp.abs(pb[j] + qb[j])
                a1 = a1 + jnp.abs(pb[j + 1] + qb[j + 1])
                return a0, a1

            return lax.fori_loop(0, CW // 2, lane_body, acc, unroll=4)

        issue(0, pbuf0, qbuf0, sem_p0, sem_q0)
        zero = jnp.zeros((msg_dim,), jnp.float32)

        def pair_body(h, acc):
            k = h * 2
            issue(k + 1, pbuf1, qbuf1, sem_p1, sem_q1)
            drain(k, pbuf0, qbuf0, sem_p0, sem_q0)
            acc = accum(pbuf0, qbuf0, acc)

            @pl.when(k + 2 < nc_mine)
            def _():
                issue(k + 2, pbuf0, qbuf0, sem_p0, sem_q0)

            drain(k + 1, pbuf1, qbuf1, sem_p1, sem_q1)
            return accum(pbuf1, qbuf1, acc)

        a0, a1 = lax.fori_loop(0, nc_mine // 2, pair_body, (zero, zero))
        accv[...] = a0 + a1
        per_row = 128 // msg_dim
        pltpu.sync_copy(
            accv, out_hbm.at[wid // per_row, pl.ds((wid % per_row) * msg_dim, msg_dim)])

    return edge_l1


def kernel(y, target, x, edge_index, W_msg, b_msg):
    n_nodes, d_feat = x.shape
    n_edges = edge_index.shape[1]
    msg_dim = W_msg.shape[1]

    ei = edge_index.astype(jnp.int32)
    ei = ei * 2 + jnp.array([[0], [1]], jnp.int32)
    b2 = b_msg.reshape(1, msg_dim)

    tables = pl.pallas_call(
        _tables_body,
        out_shape=jax.ShapeDtypeStruct((n_nodes, 2 * msg_dim), jnp.float32),
    )
    pq = tables(x, W_msg, b2)
    tab = pq.reshape(2 * n_nodes, msg_dim)

    partials = _make_edge_l1(n_edges, msg_dim)(tab, ei)

    y2 = y.reshape(80, -1)
    t2 = target.reshape(80, -1)
    combine = pl.pallas_call(
        functools.partial(_combine_body, n_nodes, n_edges),
        out_shape=jax.ShapeDtypeStruct((1, 1), jnp.float32),
    )
    return combine(y2, t2, partials)[0, 0]

# --- scband reference (transcript-rebuilt; emitter-appended) ---
"""Pipeline reference for scband-maeloss-with-l1-message-reg-13675175871042 (READ-ONLY COPY).

The authoritative reference and input builder live on the scoring server;
editing this copy changes nothing except your own understanding.
"""

import jax, jax.numpy as jnp
import numpy as np

REG_WEIGHT = 0.01

def setup_inputs(seed: int = 0) -> dict:
    key = jax.random.key(seed)
    k1, k2, k3, k4, k5, k6 = jax.random.split(key, 6)
    n_nodes = 10000
    n_edges = 320000
    d_feat = 128
    msg_dim = 16
    y = jax.random.normal(k1, (n_nodes, 1), dtype=jnp.float32)
    target = jax.random.normal(k2, (n_nodes, 1), dtype=jnp.float32)
    x = jax.random.normal(k3, (n_nodes, d_feat), dtype=jnp.float32)
    edge_index = jax.random.randint(k4, (2, n_edges), 0, n_nodes, dtype=jnp.int64)
    W_msg = jax.random.normal(k5, (2 * d_feat, msg_dim), dtype=jnp.float32) * 0.05
    b_msg = jax.random.normal(k6, (msg_dim,), dtype=jnp.float32) * 0.05
    return {"y": y, "target": target, "x": x, "edge_index": edge_index, "W_msg": W_msg, "b_msg": b_msg}

def reference(y, target, x, edge_index, W_msg, b_msg):
    # base MAE loss on node targets
    base_loss = jnp.sum(jnp.abs(y - target)) / y.shape[0]
    # L1 regularization on messages: gather source/dest node features per edge
    s = jnp.take(x, edge_index[0], axis=0)
    r = jnp.take(x, edge_index[1], axis=0)
    # model.message(s, r): linear on concatenated endpoint features
    messages = jnp.concatenate([s, r], axis=-1) @ W_msg + b_msg
    l1_reg = jnp.sum(jnp.abs(messages)) / messages.shape[0]
    total_loss = base_loss + REG_WEIGHT * l1_reg
    return total_loss

if __name__ == "__main__":
    import jax
    _d = setup_inputs()
    print(jax.jit(kernel)(*tuple(_d.values())))

</pallas_src>

<mosaic_0001>
#map = affine_map<(d0, d1) -> (0, 0)>
module attributes {stable_mosaic.version = 14 : i64} {
  func.func @edge_l1(%arg0: i32, %arg1: i32, %arg2: memref<20000x16xf32, #tpu.memory_space<hbm>>, %arg3: memref<2x320000xi32, #tpu.memory_space<hbm>>, %arg4: memref<4x128xf32, #tpu.memory_space<hbm>>, %arg5: memref<10240xi32, #tpu.memory_space<vmem>>, %arg6: memref<10240xi32, #tpu.memory_space<vmem>>, %arg7: memref<128x16xf32, #tpu.memory_space<vmem>>, %arg8: memref<128x16xf32, #tpu.memory_space<vmem>>, %arg9: memref<128x16xf32, #tpu.memory_space<vmem>>, %arg10: memref<128x16xf32, #tpu.memory_space<vmem>>, %arg11: memref<16xf32, #tpu.memory_space<vmem>>, %arg12: memref<!tpu.dma_semaphore, #tpu.memory_space<semaphore_mem>>, %arg13: memref<!tpu.dma_semaphore, #tpu.memory_space<semaphore_mem>>, %arg14: memref<!tpu.dma_semaphore, #tpu.memory_space<semaphore_mem>>, %arg15: memref<!tpu.dma_semaphore, #tpu.memory_space<semaphore_mem>>) attributes {dimension_semantics = [#tpu.dimension_semantics<core_parallel>, #tpu.dimension_semantics<subcore_parallel>], iteration_bounds = array<i64: 2, 16>, scalar_prefetch = 0 : i64, scratch_operands = 11 : i64, tpu.core_type = #tpu.core_type<sc_vector_subcore>, window_params = [{transform_indices = #map}, {transform_indices = #map}, {transform_indices = #map}]} {
    %mul3A = arith.constant 2 : i32
    %mul3A_0 = arith.muli %arg1, %mul3A : i32
    %add3A = arith.addi %mul3A_0, %arg0 : i32
    %eq3A = arith.constant 0 : i32
    %eq3A_1 = arith.cmpi eq, %arg0, %eq3A : i32
    %lt3A = arith.constant 2 : i32
    %lt3A_2 = arith.cmpi slt, %arg1, %lt3A : i32
    %jit3A = arith.constant 80 : i32
    %jit3A_3 = arith.constant 78 : i32
    %select_n3A = arith.select %lt3A_2, %jit3A, %jit3A_3 : i32
    %jit3A_4 = arith.constant 78 : i32
    %select_n3A_5 = arith.select %eq3A_1, %jit3A_4, %select_n3A : i32
    %mul3A_6 = arith.constant 78 : i32
    %mul3A_7 = arith.muli %arg1, %mul3A_6 : i32
    %add3A_8 = arith.constant 1252 : i32
    %add3A_9 = arith.addi %add3A_8, %mul3A_7 : i32
    %mul3A_10 = arith.constant 78 : i32
    %mul3A_11 = arith.muli %arg1, %mul3A_10 : i32
    %min3A = arith.constant 2 : i32
    %min3A_12 = arith.minsi %arg1, %min3A : i32
    %mul3A_13 = arith.constant 2 : i32
    %mul3A_14 = arith.muli %mul3A_13, %min3A_12 : i32
    %add3A_15 = arith.addi %mul3A_11, %mul3A_14 : i32
    %select_n3A_16 = arith.select %eq3A_1, %add3A_9, %add3A_15 : i32
    %mul3A_17 = arith.constant 128 : i32
    %mul3A_18 = arith.muli %select_n3A_16, %mul3A_17 : i32
    %min3A_19 = arith.constant 309760 : i32
    %min3A_20 = arith.minsi %mul3A_18, %min3A_19 : i32
    %sub3A = arith.subi %mul3A_18, %min3A_20 : i32
    %run_scoped3A = arith.constant 0 : i32
    "tpu.region"() ({
      %run_scoped3A_109 = tpu.sem_alloc : memref<!tpu.dma_semaphore, #tpu.memory_space<semaphore_mem>>
      %dma_start3A_110 = tpu.memref_slice %arg3[%run_scoped3A, %min3A_20] : memref<2x320000xi32, #tpu.memory_space<hbm>> -> memref<1x10240xi32, #tpu.memory_space<hbm>>
      %dma_start3A_111 = tpu.memref_squeeze %dma_start3A_110 : memref<1x10240xi32, #tpu.memory_space<hbm>> -> memref<10240xi32, #tpu.memory_space<hbm>>
      %dma_start3A_112 = tpu.memref_slice %arg3[%run_scoped3A, %min3A_20] : memref<2x320000xi32, #tpu.memory_space<hbm>> -> memref<1x10240xi32, #tpu.memory_space<hbm>>
      %dma_start3A_113 = tpu.memref_squeeze %dma_start3A_112 : memref<1x10240xi32, #tpu.memory_space<hbm>> -> memref<10240xi32, #tpu.memory_space<hbm>>
      tpu.enqueue_dma source(%dma_start3A_113 : memref<10240xi32, #tpu.memory_space<hbm>>) target(%arg5 : memref<10240xi32, #tpu.memory_space<vmem>>) target_semaphore(%run_scoped3A_109 : memref<!tpu.dma_semaphore, #tpu.memory_space<semaphore_mem>>)
      %dma_wait3A = tpu.memref_slice %arg3[%run_scoped3A, %min3A_20] : memref<2x320000xi32, #tpu.memory_space<hbm>> -> memref<1x10240xi32, #tpu.memory_space<hbm>>
      %dma_wait3A_114 = tpu.memref_squeeze %dma_wait3A : memref<1x10240xi32, #tpu.memory_space<hbm>> -> memref<10240xi32, #tpu.memory_space<hbm>>
      %dma_wait3A_115 = tpu.memref_slice %arg3[%run_scoped3A, %min3A_20] : memref<2x320000xi32, #tpu.memory_space<hbm>> -> memref<1x10240xi32, #tpu.memory_space<hbm>>
      %dma_wait3A_116 = tpu.memref_squeeze %dma_wait3A_115 : memref<1x10240xi32, #tpu.memory_space<hbm>> -> memref<10240xi32, #tpu.memory_space<hbm>>
      tpu.wait_dma2 semaphore(%run_scoped3A_109 : memref<!tpu.dma_semaphore, #tpu.memory_space<semaphore_mem>>) src(%dma_wait3A_116 : memref<10240xi32, #tpu.memory_space<hbm>>) dst(%arg5 : memref<10240xi32, #tpu.memory_space<vmem>>)
      tpu.yield
    }) : () -> ()
    %run_scoped3A_21 = arith.constant 1 : i32
    "tpu.region"() ({
      %run_scoped3A_109 = tpu.sem_alloc : memref<!tpu.dma_semaphore, #tpu.memory_space<semaphore_mem>>
      %dma_start3A_110 = tpu.memref_slice %arg3[%run_scoped3A_21, %min3A_20] : memref<2x320000xi32, #tpu.memory_space<hbm>> -> memref<1x10240xi32, #tpu.memory_space<hbm>>
      %dma_start3A_111 = tpu.memref_squeeze %dma_start3A_110 : memref<1x10240xi32, #tpu.memory_space<hbm>> -> memref<10240xi32, #tpu.memory_space<hbm>>
      %dma_start3A_112 = tpu.memref_slice %arg3[%run_scoped3A_21, %min3A_20] : memref<2x320000xi32, #tpu.memory_space<hbm>> -> memref<1x10240xi32, #tpu.memory_space<hbm>>
      %dma_start3A_113 = tpu.memref_squeeze %dma_start3A_112 : memref<1x10240xi32, #tpu.memory_space<hbm>> -> memref<10240xi32, #tpu.memory_space<hbm>>
      tpu.enqueue_dma source(%dma_start3A_113 : memref<10240xi32, #tpu.memory_space<hbm>>) target(%arg6 : memref<10240xi32, #tpu.memory_space<vmem>>) target_semaphore(%run_scoped3A_109 : memref<!tpu.dma_semaphore, #tpu.memory_space<semaphore_mem>>)
      %dma_wait3A = tpu.memref_slice %arg3[%run_scoped3A_21, %min3A_20] : memref<2x320000xi32, #tpu.memory_space<hbm>> -> memref<1x10240xi32, #tpu.memory_space<hbm>>
      %dma_wait3A_114 = tpu.memref_squeeze %dma_wait3A : memref<1x10240xi32, #tpu.memory_space<hbm>> -> memref<10240xi32, #tpu.memory_space<hbm>>
      %dma_wait3A_115 = tpu.memref_slice %arg3[%run_scoped3A_21, %min3A_20] : memref<2x320000xi32, #tpu.memory_space<hbm>> -> memref<1x10240xi32, #tpu.memory_space<hbm>>
      %dma_wait3A_116 = tpu.memref_squeeze %dma_wait3A_115 : memref<1x10240xi32, #tpu.memory_space<hbm>> -> memref<10240xi32, #tpu.memory_space<hbm>>
      tpu.wait_dma2 semaphore(%run_scoped3A_109 : memref<!tpu.dma_semaphore, #tpu.memory_space<semaphore_mem>>) src(%dma_wait3A_116 : memref<10240xi32, #tpu.memory_space<hbm>>) dst(%arg6 : memref<10240xi32, #tpu.memory_space<vmem>>)
      tpu.yield
    }) : () -> ()
    %add3A_22 = arith.constant 0 : i32
    %add3A_23 = arith.addi %sub3A, %add3A_22 : i32
    %dma_start3A = tpu.memref_slice %arg5[%add3A_23] : memref<10240xi32, #tpu.memory_space<vmem>> -> memref<128xi32, #tpu.memory_space<vmem>>
    %dma_start3A_24 = arith.constant 0 : i32
    %dma_start3A_25 = arith.constant 0 : i32
    %dma_start3A_26 = tpu.memref_slice %arg2[%dma_start3A_24, %dma_start3A_25] : memref<20000x16xf32, #tpu.memory_space<hbm>> -> memref<20000x16xf32, #tpu.memory_space<hbm>>
    tpu.enqueue_indirect_dma source(%dma_start3A_26 : memref<20000x16xf32, #tpu.memory_space<hbm>>) target(%arg7 : memref<128x16xf32, #tpu.memory_space<vmem>>) offsets(%dma_start3A : memref<128xi32, #tpu.memory_space<vmem>>) semaphore(%arg12 : memref<!tpu.dma_semaphore, #tpu.memory_space<semaphore_mem>>)
    %add3A_27 = arith.constant 0 : i32
    %add3A_28 = arith.addi %sub3A, %add3A_27 : i32
    %dma_start3A_29 = tpu.memref_slice %arg6[%add3A_28] : memref<10240xi32, #tpu.memory_space<vmem>> -> memref<128xi32, #tpu.memory_space<vmem>>
    %dma_start3A_30 = arith.constant 0 : i32
    %dma_start3A_31 = arith.constant 0 : i32
    %dma_start3A_32 = tpu.memref_slice %arg2[%dma_start3A_30, %dma_start3A_31] : memref<20000x16xf32, #tpu.memory_space<hbm>> -> memref<20000x16xf32, #tpu.memory_space<hbm>>
    tpu.enqueue_indirect_dma source(%dma_start3A_32 : memref<20000x16xf32, #tpu.memory_space<hbm>>) target(%arg8 : memref<128x16xf32, #tpu.memory_space<vmem>>) offsets(%dma_start3A_29 : memref<128xi32, #tpu.memory_space<vmem>>) semaphore(%arg13 : memref<!tpu.dma_semaphore, #tpu.memory_space<semaphore_mem>>)
    %broadcast_in_dim3A = arith.constant 0.000000e+00 : f32
    %broadcast_in_dim3A_33 = vector.broadcast %broadcast_in_dim3A : f32 to vector<16xf32>
    %jit3A_34 = arith.constant 2 : i32
    %div3A = arith.divsi %select_n3A_5, %jit3A_34 : i32
    %sign3A = arith.constant 0 : i32
    %sign3A_35 = arith.cmpi sgt, %select_n3A_5, %sign3A : i32
    %sign3A_36 = arith.extui %sign3A_35 : i1 to i32
    %sign3A_37 = arith.constant 0 : i32
    %sign3A_38 = arith.cmpi slt, %select_n3A_5, %sign3A_37 : i32
    %sign3A_39 = arith.extui %sign3A_38 : i1 to i32
    %sign3A_40 = arith.subi %sign3A_36, %sign3A_39 : i32
    %sign3A_41 = arith.constant 0 : i32
    %sign3A_42 = arith.cmpi sgt, %jit3A_34, %sign3A_41 : i32
    %sign3A_43 = arith.extui %sign3A_42 : i1 to i32
    %sign3A_44 = arith.constant 0 : i32
    %sign3A_45 = arith.cmpi slt, %jit3A_34, %sign3A_44 : i32
    %sign3A_46 = arith.extui %sign3A_45 : i1 to i32
    %sign3A_47 = arith.subi %sign3A_43, %sign3A_46 : i32
    %ne3A = arith.cmpi ne, %sign3A_40, %sign3A_47 : i32
    %rem3A = arith.remsi %select_n3A_5, %jit3A_34 : i32
    %ne3A_48 = arith.constant 0 : i32
    %ne3A_49 = arith.cmpi ne, %rem3A, %ne3A_48 : i32
    %and3A = arith.andi %ne3A, %ne3A_49 : i1
    %sub3A_50 = arith.constant 1 : i32
    %sub3A_51 = arith.subi %div3A, %sub3A_50 : i32
    %select_n3A_52 = arith.select %and3A, %sub3A_51, %div3A : i32
    %while3A = arith.constant 0 : i32
    %while3A_53 = arith.subi %select_n3A_52, %while3A : i32
    %while3A_54 = arith.addi %while3A, %while3A_53 : i32
    %while3A_55 = arith.constant 1 : i32
    %while3A_56 = arith.divsi %while3A_53, %while3A_55 : i32
    %while3A_57 = arith.muli %while3A_56, %while3A_55 : i32
    %while3A_58 = arith.addi %while3A, %while3A_57 : i32
    %while3A_59 = arith.constant 1 : i32
    %while3A_60:2 = scf.for %while3A_109 = %while3A to %while3A_58 step %while3A_59 iter_args(%while3A_110 = %broadcast_in_dim3A_33, %while3A_111 = %broadcast_in_dim3A_33) -> (vector<16xf32>, vector<16xf32>)  : i32 {
      %mul3A_112 = arith.constant 2 : i32
      %mul3A_113 = arith.muli %while3A_109, %mul3A_112 : i32
      %add3A_114 = arith.constant 1 : i32
      %add3A_115 = arith.addi %mul3A_113, %add3A_114 : i32
      %mul3A_116 = arith.constant 128 : i32
      %mul3A_117 = arith.muli %add3A_115, %mul3A_116 : i32
      %add3A_118 = arith.addi %sub3A, %mul3A_117 : i32
      %dma_start3A_119 = tpu.memref_slice %arg5[%add3A_118] : memref<10240xi32, #tpu.memory_space<vmem>> -> memref<128xi32, #tpu.memory_space<vmem>>
      %dma_start3A_120 = arith.constant 0 : i32
      %dma_start3A_121 = arith.constant 0 : i32
      %dma_start3A_122 = tpu.memref_slice %arg2[%dma_start3A_120, %dma_start3A_121] : memref<20000x16xf32, #tpu.memory_space<hbm>> -> memref<20000x16xf32, #tpu.memory_space<hbm>>
      tpu.enqueue_indirect_dma source(%dma_start3A_122 : memref<20000x16xf32, #tpu.memory_space<hbm>>) target(%arg9 : memref<128x16xf32, #tpu.memory_space<vmem>>) offsets(%dma_start3A_119 : memref<128xi32, #tpu.memory_space<vmem>>) semaphore(%arg14 : memref<!tpu.dma_semaphore, #tpu.memory_space<semaphore_mem>>)
      %mul3A_123 = arith.constant 128 : i32
      %mul3A_124 = arith.muli %add3A_115, %mul3A_123 : i32
      %add3A_125 = arith.addi %sub3A, %mul3A_124 : i32
      %dma_start3A_126 = tpu.memref_slice %arg6[%add3A_125] : memref<10240xi32, #tpu.memory_space<vmem>> -> memref<128xi32, #tpu.memory_space<vmem>>
      %dma_start3A_127 = arith.constant 0 : i32
      %dma_start3A_128 = arith.constant 0 : i32
      %dma_start3A_129 = tpu.memref_slice %arg2[%dma_start3A_127, %dma_start3A_128] : memref<20000x16xf32, #tpu.memory_space<hbm>> -> memref<20000x16xf32, #tpu.memory_space<hbm>>
      tpu.enqueue_indirect_dma source(%dma_start3A_129 : memref<20000x16xf32, #tpu.memory_space<hbm>>) target(%arg10 : memref<128x16xf32, #tpu.memory_space<vmem>>) offsets(%dma_start3A_126 : memref<128xi32, #tpu.memory_space<vmem>>) semaphore(%arg15 : memref<!tpu.dma_semaphore, #tpu.memory_space<semaphore_mem>>)
      %mul3A_130 = arith.constant 128 : i32
      %mul3A_131 = arith.muli %mul3A_113, %mul3A_130 : i32
      %add3A_132 = arith.addi %sub3A, %mul3A_131 : i32
      %dma_wait3A = tpu.memref_slice %arg5[%add3A_132] : memref<10240xi32, #tpu.memory_space<vmem>> -> memref<128xi32, #tpu.memory_space<vmem>>
      %dma_wait3A_133 = arith.constant 0 : i32
      %dma_wait3A_134 = arith.constant 0 : i32
      %dma_wait3A_135 = tpu.memref_slice %arg2[%dma_wait3A_133, %dma_wait3A_134] : memref<20000x16xf32, #tpu.memory_space<hbm>> -> memref<20000x16xf32, #tpu.memory_space<hbm>>
      tpu.wait_indirect_dma semaphore(%arg12 : memref<!tpu.dma_semaphore, #tpu.memory_space<semaphore_mem>>) src(%dma_wait3A_135 : memref<20000x16xf32, #tpu.memory_space<hbm>>) dst(%arg7 : memref<128x16xf32, #tpu.memory_space<vmem>>)
      %mul3A_136 = arith.constant 128 : i32
      %mul3A_137 = arith.muli %mul3A_113, %mul3A_136 : i32
      %add3A_138 = arith.addi %sub3A, %mul3A_137 : i32
      %dma_wait3A_139 = tpu.memref_slice %arg6[%add3A_138] : memref<10240xi32, #tpu.memory_space<vmem>> -> memref<128xi32, #tpu.memory_space<vmem>>
      %dma_wait3A_140 = arith.constant 0 : i32
      %dma_wait3A_141 = arith.constant 0 : i32
      %dma_wait3A_142 = tpu.memref_slice %arg2[%dma_wait3A_140, %dma_wait3A_141] : memref<20000x16xf32, #tpu.memory_space<hbm>> -> memref<20000x16xf32, #tpu.memory_space<hbm>>
      tpu.wait_indirect_dma semaphore(%arg13 : memref<!tpu.dma_semaphore, #tpu.memory_space<semaphore_mem>>) src(%dma_wait3A_142 : memref<20000x16xf32, #tpu.memory_space<hbm>>) dst(%arg8 : memref<128x16xf32, #tpu.memory_space<vmem>>)
      %scan3A = arith.constant 0 : i32
      %scan3A_143 = arith.constant 64 : i32
      %scan3A_144 = arith.addi %scan3A, %scan3A_143 : i32
      %scan3A_145 = arith.constant 4 : i32
      %scan3A_146:2 = scf.for %scan3A_174 = %scan3A to %scan3A_144 step %scan3A_145 iter_args(%scan3A_175 = %while3A_110, %scan3A_176 = %while3A_111) -> (vector<16xf32>, vector<16xf32>)  : i32 {
        %mul3A_177 = arith.constant 2 : i32
        %mul3A_178 = arith.muli %scan3A_174, %mul3A_177 : i32
        %get3A = arith.index_cast %mul3A_178 : i32 to index
        %get3A_179 = arith.constant 0 : index
        %get3A_180 = tpu.vector_load %arg7[%get3A, %get3A_179] {strides = array<i32>} : memref<128x16xf32, #tpu.memory_space<vmem>>, vector<1x16xf32>,
        %get3A_181 = vector.shape_cast %get3A_180 : vector<1x16xf32> to vector<16xf32>
        %get3A_182 = arith.index_cast %mul3A_178 : i32 to index
        %get3A_183 = arith.constant 0 : index
        %get3A_184 = tpu.vector_load %arg8[%get3A_182, %get3A_183] {strides = array<i32>} : memref<128x16xf32, #tpu.memory_space<vmem>>, vector<1x16xf32>,
        %get3A_185 = vector.shape_cast %get3A_184 : vector<1x16xf32> to vector<16xf32>
        %add3A_186 = arith.addf %get3A_181, %get3A_185 : vector<16xf32>
        %abs3A = math.absf %add3A_186 : vector<16xf32>
        %add3A_187 = arith.addf %scan3A_175, %abs3A : vector<16xf32>
        %add3A_188 = arith.constant 1 : i32
        %add3A_189 = arith.addi %mul3A_178, %add3A_188 : i32
        %get3A_190 = arith.index_cast %add3A_189 : i32 to index
        %get3A_191 = arith.constant 0 : index
        %get3A_192 = tpu.vector_load %arg7[%get3A_190, %get3A_191] {strides = array<i32>} : memref<128x16xf32, #tpu.memory_space<vmem>>, vector<1x16xf32>,
        %get3A_193 = vector.shape_cast %get3A_192 : vector<1x16xf32> to vector<16xf32>
        %add3A_194 = arith.constant 1 : i32
        %add3A_195 = arith.addi %mul3A_178, %add3A_194 : i32
        %get3A_196 = arith.index_cast %add3A_195 : i32 to index
        %get3A_197 = arith.constant 0 : index
        %get3A_198 = tpu.vector_load %arg8[%get3A_196, %get3A_197] {strides = array<i32>} : memref<128x16xf32, #tpu.memory_space<vmem>>, vector<1x16xf32>,
        %get3A_199 = vector.shape_cast %get3A_198 : vector<1x16xf32> to vector<16xf32>
        %add3A_200 = arith.addf %get3A_193, %get3A_199 : vector<16xf32>
        %abs3A_201 = math.absf %add3A_200 : vector<16xf32>
        %add3A_202 = arith.addf %scan3A_176, %abs3A_201 : vector<16xf32>
        %scan3A_203 = arith.constant 1 : i32
        %scan3A_204 = arith.addi %scan3A_174, %scan3A_203 : i32
        %mul3A_205 = arith.constant 2 : i32
        %mul3A_206 = arith.muli %scan3A_204, %mul3A_205 : i32
        %get3A_207 = arith.index_cast %mul3A_206 : i32 to index
        %get3A_208 = arith.constant 0 : index
        %get3A_209 = tpu.vector_load %arg7[%get3A_207, %get3A_208] {strides = array<i32>} : memref<128x16xf32, #tpu.memory_space<vmem>>, vector<1x16xf32>,
        %get3A_210 = vector.shape_cast %get3A_209 : vector<1x16xf32> to vector<16xf32>
        %get3A_211 = arith.index_cast %mul3A_206 : i32 to index
        %get3A_212 = arith.constant 0 : index
        %get3A_213 = tpu.vector_load %arg8[%get3A_211, %get3A_212] {strides = array<i32>} : memref<128x16xf32, #tpu.memory_space<vmem>>, vector<1x16xf32>,
        %get3A_214 = vector.shape_cast %get3A_213 : vector<1x16xf32> to vector<16xf32>
        %add3A_215 = arith.addf %get3A_210, %get3A_214 : vector<16xf32>
        %abs3A_216 = math.absf %add3A_215 : vector<16xf32>
        %add3A_217 = arith.addf %add3A_187, %abs3A_216 : vector<16xf32>
        %add3A_218 = arith.constant 1 : i32
        %add3A_219 = arith.addi %mul3A_206, %add3A_218 : i32
        %get3A_220 = arith.index_cast %add3A_219 : i32 to index
        %get3A_221 = arith.constant 0 : index
        %get3A_222 = tpu.vector_load %arg7[%get3A_220, %get3A_221] {strides = array<i32>} : memref<128x16xf32, #tpu.memory_space<vmem>>, vector<1x16xf32>,
        %get3A_223 = vector.shape_cast %get3A_222 : vector<1x16xf32> to vector<16xf32>
        %add3A_224 = arith.constant 1 : i32
        %add3A_225 = arith.addi %mul3A_206, %add3A_224 : i32
        %get3A_226 = arith.index_cast %add3A_225 : i32 to index
        %get3A_227 = arith.constant 0 : index
        %get3A_228 = tpu.vector_load %arg8[%get3A_226, %get3A_227] {strides = array<i32>} : memref<128x16xf32, #tpu.memory_space<vmem>>, vector<1x16xf32>,
        %get3A_229 = vector.shape_cast %get3A_228 : vector<1x16xf32> to vector<16xf32>
        %add3A_230 = arith.addf %get3A_223, %get3A_229 : vector<16xf32>
        %abs3A_231 = math.absf %add3A_230 : vector<16xf32>
        %add3A_232 = arith.addf %add3A_202, %abs3A_231 : vector<16xf32>
        %scan3A_233 = arith.constant 2 : i32
        %scan3A_234 = arith.addi %scan3A_174, %scan3A_233 : i32
        %mul3A_235 = arith.constant 2 : i32
        %mul3A_236 = arith.muli %scan3A_234, %mul3A_235 : i32
        %get3A_237 = arith.index_cast %mul3A_236 : i32 to index
        %get3A_238 = arith.constant 0 : index
        %get3A_239 = tpu.vector_load %arg7[%get3A_237, %get3A_238] {strides = array<i32>} : memref<128x16xf32, #tpu.memory_space<vmem>>, vector<1x16xf32>,
        %get3A_240 = vector.shape_cast %get3A_239 : vector<1x16xf32> to vector<16xf32>
        %get3A_241 = arith.index_cast %mul3A_236 : i32 to index
        %get3A_242 = arith.constant 0 : index
        %get3A_243 = tpu.vector_load %arg8[%get3A_241, %get3A_242] {strides = array<i32>} : memref<128x16xf32, #tpu.memory_space<vmem>>, vector<1x16xf32>,
        %get3A_244 = vector.shape_cast %get3A_243 : vector<1x16xf32> to vector<16xf32>
        %add3A_245 = arith.addf %get3A_240, %get3A_244 : vector<16xf32>
        %abs3A_246 = math.absf %add3A_245 : vector<16xf32>
        %add3A_247 = arith.addf %add3A_217, %abs3A_246 : vector<16xf32>
        %add3A_248 = arith.constant 1 : i32
        %add3A_249 = arith.addi %mul3A_236, %add3A_248 : i32
        %get3A_250 = arith.index_cast %add3A_249 : i32 to index
        %get3A_251 = arith.constant 0 : index
        %get3A_252 = tpu.vector_load %arg7[%get3A_250, %get3A_251] {strides = array<i32>} : memref<128x16xf32, #tpu.memory_space<vmem>>, vector<1x16xf32>,
        %get3A_253 = vector.shape_cast %get3A_252 : vector<1x16xf32> to vector<16xf32>
        %add3A_254 = arith.constant 1 : i32
        %add3A_255 = arith.addi %mul3A_236, %add3A_254 : i32
        %get3A_256 = arith.index_cast %add3A_255 : i32 to index
        %get3A_257 = arith.constant 0 : index
        %get3A_258 = tpu.vector_load %arg8[%get3A_256, %get3A_257] {strides = array<i32>} : memref<128x16xf32, #tpu.memory_space<vmem>>, vector<1x16xf32>,
        %get3A_259 = vector.shape_cast %get3A_258 : vector<1x16xf32> to vector<16xf32>
        %add3A_260 = arith.addf %get3A_253, %get3A_259 : vector<16xf32>
        %abs3A_261 = math.absf %add3A_260 : vector<16xf32>
        %add3A_262 = arith.addf %add3A_232, %abs3A_261 : vector<16xf32>
        %scan3A_263 = arith.constant 3 : i32
        %scan3A_264 = arith.addi %scan3A_174, %scan3A_263 : i32
        %mul3A_265 = arith.constant 2 : i32
        %mul3A_266 = arith.muli %scan3A_264, %mul3A_265 : i32
        %get3A_267 = arith.index_cast %mul3A_266 : i32 to index
        %get3A_268 = arith.constant 0 : index
        %get3A_269 = tpu.vector_load %arg7[%get3A_267, %get3A_268] {strides = array<i32>} : memref<128x16xf32, #tpu.memory_space<vmem>>, vector<1x16xf32>,
        %get3A_270 = vector.shape_cast %get3A_269 : vector<1x16xf32> to vector<16xf32>
        %get3A_271 = arith.index_cast %mul3A_266 : i32 to index
        %get3A_272 = arith.constant 0 : index
        %get3A_273 = tpu.vector_load %arg8[%get3A_271, %get3A_272] {strides = array<i32>} : memref<128x16xf32, #tpu.memory_space<vmem>>, vector<1x16xf32>,
        %get3A_274 = vector.shape_cast %get3A_273 : vector<1x16xf32> to vector<16xf32>
        %add3A_275 = arith.addf %get3A_270, %get3A_274 : vector<16xf32>
        %abs3A_276 = math.absf %add3A_275 : vector<16xf32>
        %add3A_277 = arith.addf %add3A_247, %abs3A_276 : vector<16xf32>
        %add3A_278 = arith.constant 1 : i32
        %add3A_279 = arith.addi %mul3A_266, %add3A_278 : i32
        %get3A_280 = arith.index_cast %add3A_279 : i32 to index
        %get3A_281 = arith.constant 0 : index
        %get3A_282 = tpu.vector_load %arg7[%get3A_280, %get3A_281] {strides = array<i32>} : memref<128x16xf32, #tpu.memory_space<vmem>>, vector<1x16xf32>,
        %get3A_283 = vector.shape_cast %get3A_282 : vector<1x16xf32> to vector<16xf32>
        %add3A_284 = arith.constant 1 : i32
        %add3A_285 = arith.addi %mul3A_266, %add3A_284 : i32
        %get3A_286 = arith.index_cast %add3A_285 : i32 to index
        %get3A_287 = arith.constant 0 : index
        %get3A_288 = tpu.vector_load %arg8[%get3A_286, %get3A_287] {strides = array<i32>} : memref<128x16xf32, #tpu.memory_space<vmem>>, vector<1x16xf32>,
        %get3A_289 = vector.shape_cast %get3A_288 : vector<1x16xf32> to vector<16xf32>
        %add3A_290 = arith.addf %get3A_283, %get3A_289 : vector<16xf32>
        %abs3A_291 = math.absf %add3A_290 : vector<16xf32>
        %add3A_292 = arith.addf %add3A_262, %abs3A_291 : vector<16xf32>
        scf.yield %add3A_277, %add3A_292 : vector<16xf32>, vector<16xf32>
      }
      %scan3A_147 = arith.constant 64 : i32
      %add3A_148 = arith.constant 2 : i32
      %add3A_149 = arith.addi %mul3A_113, %add3A_148 : i32
      %lt3A_150 = arith.cmpi slt, %add3A_149, %select_n3A_5 : i32
      %convert_element_type3A = arith.extui %lt3A_150 : i1 to i32
      %cond3A = arith.constant 0 : i32
      %cond3A_151 = arith.cmpi ne, %convert_element_type3A, %cond3A : i32
      scf.if %cond3A_151 {
        %add3A_174 = arith.constant 2 : i32
        %add3A_175 = arith.addi %mul3A_113, %add3A_174 : i32
        %mul3A_176 = arith.constant 128 : i32
        %mul3A_177 = arith.muli %add3A_175, %mul3A_176 : i32
        %add3A_178 = arith.addi %sub3A, %mul3A_177 : i32
        %dma_start3A_179 = tpu.memref_slice %arg5[%add3A_178] : memref<10240xi32, #tpu.memory_space<vmem>> -> memref<128xi32, #tpu.memory_space<vmem>>
        %dma_start3A_180 = arith.constant 0 : i32
        %dma_start3A_181 = arith.constant 0 : i32
        %dma_start3A_182 = tpu.memref_slice %arg2[%dma_start3A_180, %dma_start3A_181] : memref<20000x16xf32, #tpu.memory_space<hbm>> -> memref<20000x16xf32, #tpu.memory_space<hbm>>
        tpu.enqueue_indirect_dma source(%dma_start3A_182 : memref<20000x16xf32, #tpu.memory_space<hbm>>) target(%arg7 : memref<128x16xf32, #tpu.memory_space<vmem>>) offsets(%dma_start3A_179 : memref<128xi32, #tpu.memory_space<vmem>>) semaphore(%arg12 : memref<!tpu.dma_semaphore, #tpu.memory_space<semaphore_mem>>)
        %mul3A_183 = arith.constant 128 : i32
        %mul3A_184 = arith.muli %add3A_175, %mul3A_183 : i32
        %add3A_185 = arith.addi %sub3A, %mul3A_184 : i32
        %dma_start3A_186 = tpu.memref_slice %arg6[%add3A_185] : memref<10240xi32, #tpu.memory_space<vmem>> -> memref<128xi32, #tpu.memory_space<vmem>>
        %dma_start3A_187 = arith.constant 0 : i32
        %dma_start3A_188 = arith.constant 0 : i32
        %dma_start3A_189 = tpu.memref_slice %arg2[%dma_start3A_187, %dma_start3A_188] : memref<20000x16xf32, #tpu.memory_space<hbm>> -> memref<20000x16xf32, #tpu.memory_space<hbm>>
        tpu.enqueue_indirect_dma source(%dma_start3A_189 : memref<20000x16xf32, #tpu.memory_space<hbm>>) target(%arg8 : memref<128x16xf32, #tpu.memory_space<vmem>>) offsets(%dma_start3A_186 : memref<128xi32, #tpu.memory_space<vmem>>) semaphore(%arg13 : memref<!tpu.dma_semaphore, #tpu.memory_space<semaphore_mem>>)
      } else {
      }
      %add3A_152 = arith.constant 1 : i32
      %add3A_153 = arith.addi %mul3A_113, %add3A_152 : i32
      %mul3A_154 = arith.constant 128 : i32
      %mul3A_155 = arith.muli %add3A_153, %mul3A_154 : i32
      %add3A_156 = arith.addi %sub3A, %mul3A_155 : i32
      %dma_wait3A_157 = tpu.memref_slice %arg5[%add3A_156] : memref<10240xi32, #tpu.memory_space<vmem>> -> memref<128xi32, #tpu.memory_space<vmem>>
      %dma_wait3A_158 = arith.constant 0 : i32
      %dma_wait3A_159 = arith.constant 0 : i32
      %dma_wait3A_160 = tpu.memref_slice %arg2[%dma_wait3A_158, %dma_wait3A_159] : memref<20000x16xf32, #tpu.memory_space<hbm>> -> memref<20000x16xf32, #tpu.memory_space<hbm>>
      tpu.wait_indirect_dma semaphore(%arg14 : memref<!tpu.dma_semaphore, #tpu.memory_space<semaphore_mem>>) src(%dma_wait3A_160 : memref<20000x16xf32, #tpu.memory_space<hbm>>) dst(%arg9 : memref<128x16xf32, #tpu.memory_space<vmem>>)
      %mul3A_161 = arith.constant 128 : i32
      %mul3A_162 = arith.muli %add3A_153, %mul3A_161 : i32
      %add3A_163 = arith.addi %sub3A, %mul3A_162 : i32
      %dma_wait3A_164 = tpu.memref_slice %arg6[%add3A_163] : memref<10240xi32, #tpu.memory_space<vmem>> -> memref<128xi32, #tpu.memory_space<vmem>>
      %dma_wait3A_165 = arith.constant 0 : i32
      %dma_wait3A_166 = arith.constant 0 : i32
      %dma_wait3A_167 = tpu.memref_slice %arg2[%dma_wait3A_165, %dma_wait3A_166] : memref<20000x16xf32, #tpu.memory_space<hbm>> -> memref<20000x16xf32, #tpu.memory_space<hbm>>
      tpu.wait_indirect_dma semaphore(%arg15 : memref<!tpu.dma_semaphore, #tpu.memory_space<semaphore_mem>>) src(%dma_wait3A_167 : memref<20000x16xf32, #tpu.memory_space<hbm>>) dst(%arg10 : memref<128x16xf32, #tpu.memory_space<vmem>>)
      %scan3A_168 = arith.constant 0 : i32
      %scan3A_169 = arith.constant 64 : i32
      %scan3A_170 = arith.addi %scan3A_168, %scan3A_169 : i32
      %scan3A_171 = arith.constant 4 : i32
      %scan3A_172:2 = scf.for %scan3A_174 = %scan3A_168 to %scan3A_170 step %scan3A_171 iter_args(%scan3A_175 = %scan3A_146#0, %scan3A_176 = %scan3A_146#1) -> (vector<16xf32>, vector<16xf32>)  : i32 {
        %mul3A_177 = arith.constant 2 : i32
        %mul3A_178 = arith.muli %scan3A_174, %mul3A_177 : i32
        %get3A = arith.index_cast %mul3A_178 : i32 to index
        %get3A_179 = arith.constant 0 : index
        %get3A_180 = tpu.vector_load %arg9[%get3A, %get3A_179] {strides = array<i32>} : memref<128x16xf32, #tpu.memory_space<vmem>>, vector<1x16xf32>,
        %get3A_181 = vector.shape_cast %get3A_180 : vector<1x16xf32> to vector<16xf32>
        %get3A_182 = arith.index_cast %mul3A_178 : i32 to index
        %get3A_183 = arith.constant 0 : index
        %get3A_184 = tpu.vector_load %arg10[%get3A_182, %get3A_183] {strides = array<i32>} : memref<128x16xf32, #tpu.memory_space<vmem>>, vector<1x16xf32>,
        %get3A_185 = vector.shape_cast %get3A_184 : vector<1x16xf32> to vector<16xf32>
        %add3A_186 = arith.addf %get3A_181, %get3A_185 : vector<16xf32>
        %abs3A = math.absf %add3A_186 : vector<16xf32>
        %add3A_187 = arith.addf %scan3A_175, %abs3A : vector<16xf32>
        %add3A_188 = arith.constant 1 : i32
        %add3A_189 = arith.addi %mul3A_178, %add3A_188 : i32
        %get3A_190 = arith.index_cast %add3A_189 : i32 to index
        %get3A_191 = arith.constant 0 : index
        %get3A_192 = tpu.vector_load %arg9[%get3A_190, %get3A_191] {strides = array<i32>} : memref<128x16xf32, #tpu.memory_space<vmem>>, vector<1x16xf32>,
        %get3A_193 = vector.shape_cast %get3A_192 : vector<1x16xf32> to vector<16xf32>
        %add3A_194 = arith.constant 1 : i32
        %add3A_195 = arith.addi %mul3A_178, %add3A_194 : i32
        %get3A_196 = arith.index_cast %add3A_195 : i32 to index
        %get3A_197 = arith.constant 0 : index
        %get3A_198 = tpu.vector_load %arg10[%get3A_196, %get3A_197] {strides = array<i32>} : memref<128x16xf32, #tpu.memory_space<vmem>>, vector<1x16xf32>,
        %get3A_199 = vector.shape_cast %get3A_198 : vector<1x16xf32> to vector<16xf32>
        %add3A_200 = arith.addf %get3A_193, %get3A_199 : vector<16xf32>
        %abs3A_201 = math.absf %add3A_200 : vector<16xf32>
        %add3A_202 = arith.addf %scan3A_176, %abs3A_201 : vector<16xf32>
        %scan3A_203 = arith.constant 1 : i32
        %scan3A_204 = arith.addi %scan3A_174, %scan3A_203 : i32
        %mul3A_205 = arith.constant 2 : i32
        %mul3A_206 = arith.muli %scan3A_204, %mul3A_205 : i32
        %get3A_207 = arith.index_cast %mul3A_206 : i32 to index
        %get3A_208 = arith.constant 0 : index
        %get3A_209 = tpu.vector_load %arg9[%get3A_207, %get3A_208] {strides = array<i32>} : memref<128x16xf32, #tpu.memory_space<vmem>>, vector<1x16xf32>,
        %get3A_210 = vector.shape_cast %get3A_209 : vector<1x16xf32> to vector<16xf32>
        %get3A_211 = arith.index_cast %mul3A_206 : i32 to index
        %get3A_212 = arith.constant 0 : index
        %get3A_213 = tpu.vector_load %arg10[%get3A_211, %get3A_212] {strides = array<i32>} : memref<128x16xf32, #tpu.memory_space<vmem>>, vector<1x16xf32>,
        %get3A_214 = vector.shape_cast %get3A_213 : vector<1x16xf32> to vector<16xf32>
        %add3A_215 = arith.addf %get3A_210, %get3A_214 : vector<16xf32>
        %abs3A_216 = math.absf %add3A_215 : vector<16xf32>
        %add3A_217 = arith.addf %add3A_187, %abs3A_216 : vector<16xf32>
        %add3A_218 = arith.constant 1 : i32
        %add3A_219 = arith.addi %mul3A_206, %add3A_218 : i32
        %get3A_220 = arith.index_cast %add3A_219 : i32 to index
        %get3A_221 = arith.constant 0 : index
        %get3A_222 = tpu.vector_load %arg9[%get3A_220, %get3A_221] {strides = array<i32>} : memref<128x16xf32, #tpu.memory_space<vmem>>, vector<1x16xf32>,
        %get3A_223 = vector.shape_cast %get3A_222 : vector<1x16xf32> to vector<16xf32>
        %add3A_224 = arith.constant 1 : i32
        %add3A_225 = arith.addi %mul3A_206, %add3A_224 : i32
        %get3A_226 = arith.index_cast %add3A_225 : i32 to index
        %get3A_227 = arith.constant 0 : index
        %get3A_228 = tpu.vector_load %arg10[%get3A_226, %get3A_227] {strides = array<i32>} : memref<128x16xf32, #tpu.memory_space<vmem>>, vector<1x16xf32>,
        %get3A_229 = vector.shape_cast %get3A_228 : vector<1x16xf32> to vector<16xf32>
        %add3A_230 = arith.addf %get3A_223, %get3A_229 : vector<16xf32>
        %abs3A_231 = math.absf %add3A_230 : vector<16xf32>
        %add3A_232 = arith.addf %add3A_202, %abs3A_231 : vector<16xf32>
        %scan3A_233 = arith.constant 2 : i32
        %scan3A_234 = arith.addi %scan3A_174, %scan3A_233 : i32
        %mul3A_235 = arith.constant 2 : i32
        %mul3A_236 = arith.muli %scan3A_234, %mul3A_235 : i32
        %get3A_237 = arith.index_cast %mul3A_236 : i32 to index
        %get3A_238 = arith.constant 0 : index
        %get3A_239 = tpu.vector_load %arg9[%get3A_237, %get3A_238] {strides = array<i32>} : memref<128x16xf32, #tpu.memory_space<vmem>>, vector<1x16xf32>,
        %get3A_240 = vector.shape_cast %get3A_239 : vector<1x16xf32> to vector<16xf32>
        %get3A_241 = arith.index_cast %mul3A_236 : i32 to index
        %get3A_242 = arith.constant 0 : index
        %get3A_243 = tpu.vector_load %arg10[%get3A_241, %get3A_242] {strides = array<i32>} : memref<128x16xf32, #tpu.memory_space<vmem>>, vector<1x16xf32>,
        %get3A_244 = vector.shape_cast %get3A_243 : vector<1x16xf32> to vector<16xf32>
        %add3A_245 = arith.addf %get3A_240, %get3A_244 : vector<16xf32>
        %abs3A_246 = math.absf %add3A_245 : vector<16xf32>
        %add3A_247 = arith.addf %add3A_217, %abs3A_246 : vector<16xf32>
        %add3A_248 = arith.constant 1 : i32
        %add3A_249 = arith.addi %mul3A_236, %add3A_248 : i32
        %get3A_250 = arith.index_cast %add3A_249 : i32 to index
        %get3A_251 = arith.constant 0 : index
        %get3A_252 = tpu.vector_load %arg9[%get3A_250, %get3A_251] {strides = array<i32>} : memref<128x16xf32, #tpu.memory_space<vmem>>, vector<1x16xf32>,
        %get3A_253 = vector.shape_cast %get3A_252 : vector<1x16xf32> to vector<16xf32>
        %add3A_254 = arith.constant 1 : i32
        %add3A_255 = arith.addi %mul3A_236, %add3A_254 : i32
        %get3A_256 = arith.index_cast %add3A_255 : i32 to index
        %get3A_257 = arith.constant 0 : index
        %get3A_258 = tpu.vector_load %arg10[%get3A_256, %get3A_257] {strides = array<i32>} : memref<128x16xf32, #tpu.memory_space<vmem>>, vector<1x16xf32>,
        %get3A_259 = vector.shape_cast %get3A_258 : vector<1x16xf32> to vector<16xf32>
        %add3A_260 = arith.addf %get3A_253, %get3A_259 : vector<16xf32>
        %abs3A_261 = math.absf %add3A_260 : vector<16xf32>
        %add3A_262 = arith.addf %add3A_232, %abs3A_261 : vector<16xf32>
        %scan3A_263 = arith.constant 3 : i32
        %scan3A_264 = arith.addi %scan3A_174, %scan3A_263 : i32
        %mul3A_265 = arith.constant 2 : i32
        %mul3A_266 = arith.muli %scan3A_264, %mul3A_265 : i32
        %get3A_267 = arith.index_cast %mul3A_266 : i32 to index
        %get3A_268 = arith.constant 0 : index
        %get3A_269 = tpu.vector_load %arg9[%get3A_267, %get3A_268] {strides = array<i32>} : memref<128x16xf32, #tpu.memory_space<vmem>>, vector<1x16xf32>,
        %get3A_270 = vector.shape_cast %get3A_269 : vector<1x16xf32> to vector<16xf32>
        %get3A_271 = arith.index_cast %mul3A_266 : i32 to index
        %get3A_272 = arith.constant 0 : index
        %get3A_273 = tpu.vector_load %arg10[%get3A_271, %get3A_272] {strides = array<i32>} : memref<128x16xf32, #tpu.memory_space<vmem>>, vector<1x16xf32>,
        %get3A_274 = vector.shape_cast %get3A_273 : vector<1x16xf32> to vector<16xf32>
        %add3A_275 = arith.addf %get3A_270, %get3A_274 : vector<16xf32>
        %abs3A_276 = math.absf %add3A_275 : vector<16xf32>
        %add3A_277 = arith.addf %add3A_247, %abs3A_276 : vector<16xf32>
        %add3A_278 = arith.constant 1 : i32
        %add3A_279 = arith.addi %mul3A_266, %add3A_278 : i32
        %get3A_280 = arith.index_cast %add3A_279 : i32 to index
        %get3A_281 = arith.constant 0 : index
        %get3A_282 = tpu.vector_load %arg9[%get3A_280, %get3A_281] {strides = array<i32>} : memref<128x16xf32, #tpu.memory_space<vmem>>, vector<1x16xf32>,
        %get3A_283 = vector.shape_cast %get3A_282 : vector<1x16xf32> to vector<16xf32>
        %add3A_284 = arith.constant 1 : i32
        %add3A_285 = arith.addi %mul3A_266, %add3A_284 : i32
        %get3A_286 = arith.index_cast %add3A_285 : i32 to index
        %get3A_287 = arith.constant 0 : index
        %get3A_288 = tpu.vector_load %arg10[%get3A_286, %get3A_287] {strides = array<i32>} : memref<128x16xf32, #tpu.memory_space<vmem>>, vector<1x16xf32>,
        %get3A_289 = vector.shape_cast %get3A_288 : vector<1x16xf32> to vector<16xf32>
        %add3A_290 = arith.addf %get3A_283, %get3A_289 : vector<16xf32>
        %abs3A_291 = math.absf %add3A_290 : vector<16xf32>
        %add3A_292 = arith.addf %add3A_262, %abs3A_291 : vector<16xf32>
        scf.yield %add3A_277, %add3A_292 : vector<16xf32>, vector<16xf32>
      }
      %scan3A_173 = arith.constant 64 : i32
      scf.yield %scan3A_172#0, %scan3A_172#1 : vector<16xf32>, vector<16xf32>
    }
    %while3A_61 = arith.constant 1 : i32
    %while3A_62:2 = scf.for %while3A_109 = %while3A_58 to %while3A_54 step %while3A_61 iter_args(%while3A_110 = %while3A_60#0, %while3A_111 = %while3A_60#1) -> (vector<16xf32>, vector<16xf32>)  : i32 {
      %mul3A_112 = arith.constant 2 : i32
      %mul3A_113 = arith.muli %while3A_109, %mul3A_112 : i32
      %add3A_114 = arith.constant 1 : i32
      %add3A_115 = arith.addi %mul3A_113, %add3A_114 : i32
      %mul3A_116 = arith.constant 128 : i32
      %mul3A_117 = arith.muli %add3A_115, %mul3A_116 : i32
      %add3A_118 = arith.addi %sub3A, %mul3A_117 : i32
      %dma_start3A_119 = tpu.memref_slice %arg5[%add3A_118] : memref<10240xi32, #tpu.memory_space<vmem>> -> memref<128xi32, #tpu.memory_space<vmem>>
      %dma_start3A_120 = arith.constant 0 : i32
      %dma_start3A_121 = arith.constant 0 : i32
      %dma_start3A_122 = tpu.memref_slice %arg2[%dma_start3A_120, %dma_start3A_121] : memref<20000x16xf32, #tpu.memory_space<hbm>> -> memref<20000x16xf32, #tpu.memory_space<hbm>>
      tpu.enqueue_indirect_dma source(%dma_start3A_122 : memref<20000x16xf32, #tpu.memory_space<hbm>>) target(%arg9 : memref<128x16xf32, #tpu.memory_space<vmem>>) offsets(%dma_start3A_119 : memref<128xi32, #tpu.memory_space<vmem>>) semaphore(%arg14 : memref<!tpu.dma_semaphore, #tpu.memory_space<semaphore_mem>>)
      %mul3A_123 = arith.constant 128 : i32
      %mul3A_124 = arith.muli %add3A_115, %mul3A_123 : i32
      %add3A_125 = arith.addi %sub3A, %mul3A_124 : i32
      %dma_start3A_126 = tpu.memref_slice %arg6[%add3A_125] : memref<10240xi32, #tpu.memory_space<vmem>> -> memref<128xi32, #tpu.memory_space<vmem>>
      %dma_start3A_127 = arith.constant 0 : i32
      %dma_start3A_128 = arith.constant 0 : i32
      %dma_start3A_129 = tpu.memref_slice %arg2[%dma_start3A_127, %dma_start3A_128] : memref<20000x16xf32, #tpu.memory_space<hbm>> -> memref<20000x16xf32, #tpu.memory_space<hbm>>
      tpu.enqueue_indirect_dma source(%dma_start3A_129 : memref<20000x16xf32, #tpu.memory_space<hbm>>) target(%arg10 : memref<128x16xf32, #tpu.memory_space<vmem>>) offsets(%dma_start3A_126 : memref<128xi32, #tpu.memory_space<vmem>>) semaphore(%arg15 : memref<!tpu.dma_semaphore, #tpu.memory_space<semaphore_mem>>)
      %mul3A_130 = arith.constant 128 : i32
      %mul3A_131 = arith.muli %mul3A_113, %mul3A_130 : i32
      %add3A_132 = arith.addi %sub3A, %mul3A_131 : i32
      %dma_wait3A = tpu.memref_slice %arg5[%add3A_132] : memref<10240xi32, #tpu.memory_space<vmem>> -> memref<128xi32, #tpu.memory_space<vmem>>
      %dma_wait3A_133 = arith.constant 0 : i32
      %dma_wait3A_134 = arith.constant 0 : i32
      %dma_wait3A_135 = tpu.memref_slice %arg2[%dma_wait3A_133, %dma_wait3A_134] : memref<20000x16xf32, #tpu.memory_space<hbm>> -> memref<20000x16xf32, #tpu.memory_space<hbm>>
      tpu.wait_indirect_dma semaphore(%arg12 : memref<!tpu.dma_semaphore, #tpu.memory_space<semaphore_mem>>) src(%dma_wait3A_135 : memref<20000x16xf32, #tpu.memory_space<hbm>>) dst(%arg7 : memref<128x16xf32, #tpu.memory_space<vmem>>)
      %mul3A_136 = arith.constant 128 : i32
      %mul3A_137 = arith.muli %mul3A_113, %mul3A_136 : i32
      %add3A_138 = arith.addi %sub3A, %mul3A_137 : i32
      %dma_wait3A_139 = tpu.memref_slice %arg6[%add3A_138] : memref<10240xi32, #tpu.memory_space<vmem>> -> memref<128xi32, #tpu.memory_space<vmem>>
      %dma_wait3A_140 = arith.constant 0 : i32
      %dma_wait3A_141 = arith.constant 0 : i32
      %dma_wait3A_142 = tpu.memref_slice %arg2[%dma_wait3A_140, %dma_wait3A_141] : memref<20000x16xf32, #tpu.memory_space<hbm>> -> memref<20000x16xf32, #tpu.memory_space<hbm>>
      tpu.wait_indirect_dma semaphore(%arg13 : memref<!tpu.dma_semaphore, #tpu.memory_space<semaphore_mem>>) src(%dma_wait3A_142 : memref<20000x16xf32, #tpu.memory_space<hbm>>) dst(%arg8 : memref<128x16xf32, #tpu.memory_space<vmem>>)
      %scan3A = arith.constant 0 : i32
      %scan3A_143 = arith.constant 64 : i32
      %scan3A_144 = arith.addi %scan3A, %scan3A_143 : i32
      %scan3A_145 = arith.constant 4 : i32
      %scan3A_146:2 = scf.for %scan3A_174 = %scan3A to %scan3A_144 step %scan3A_145 iter_args(%scan3A_175 = %while3A_110, %scan3A_176 = %while3A_111) -> (vector<16xf32>, vector<16xf32>)  : i32 {
        %mul3A_177 = arith.constant 2 : i32
        %mul3A_178 = arith.muli %scan3A_174, %mul3A_177 : i32
        %get3A = arith.index_cast %mul3A_178 : i32 to index
        %get3A_179 = arith.constant 0 : index
        %get3A_180 = tpu.vector_load %arg7[%get3A, %get3A_179] {strides = array<i32>} : memref<128x16xf32, #tpu.memory_space<vmem>>, vector<1x16xf32>,
        %get3A_181 = vector.shape_cast %get3A_180 : vector<1x16xf32> to vector<16xf32>
        %get3A_182 = arith.index_cast %mul3A_178 : i32 to index
        %get3A_183 = arith.constant 0 : index
        %get3A_184 = tpu.vector_load %arg8[%get3A_182, %get3A_183] {strides = array<i32>} : memref<128x16xf32, #tpu.memory_space<vmem>>, vector<1x16xf32>,
        %get3A_185 = vector.shape_cast %get3A_184 : vector<1x16xf32> to vector<16xf32>
        %add3A_186 = arith.addf %get3A_181, %get3A_185 : vector<16xf32>
        %abs3A = math.absf %add3A_186 : vector<16xf32>
        %add3A_187 = arith.addf %scan3A_175, %abs3A : vector<16xf32>
        %add3A_188 = arith.constant 1 : i32
        %add3A_189 = arith.addi %mul3A_178, %add3A_188 : i32
        %get3A_190 = arith.index_cast %add3A_189 : i32 to index
        %get3A_191 = arith.constant 0 : index
        %get3A_192 = tpu.vector_load %arg7[%get3A_190, %get3A_191] {strides = array<i32>} : memref<128x16xf32, #tpu.memory_space<vmem>>, vector<1x16xf32>,
        %get3A_193 = vector.shape_cast %get3A_192 : vector<1x16xf32> to vector<16xf32>
        %add3A_194 = arith.constant 1 : i32
        %add3A_195 = arith.addi %mul3A_178, %add3A_194 : i32
        %get3A_196 = arith.index_cast %add3A_195 : i32 to index
        %get3A_197 = arith.constant 0 : index
        %get3A_198 = tpu.vector_load %arg8[%get3A_196, %get3A_197] {strides = array<i32>} : memref<128x16xf32, #tpu.memory_space<vmem>>, vector<1x16xf32>,
        %get3A_199 = vector.shape_cast %get3A_198 : vector<1x16xf32> to vector<16xf32>
        %add3A_200 = arith.addf %get3A_193, %get3A_199 : vector<16xf32>
        %abs3A_201 = math.absf %add3A_200 : vector<16xf32>
        %add3A_202 = arith.addf %scan3A_176, %abs3A_201 : vector<16xf32>
        %scan3A_203 = arith.constant 1 : i32
        %scan3A_204 = arith.addi %scan3A_174, %scan3A_203 : i32
        %mul3A_205 = arith.constant 2 : i32
        %mul3A_206 = arith.muli %scan3A_204, %mul3A_205 : i32
        %get3A_207 = arith.index_cast %mul3A_206 : i32 to index
        %get3A_208 = arith.constant 0 : index
        %get3A_209 = tpu.vector_load %arg7[%get3A_207, %get3A_208] {strides = array<i32>} : memref<128x16xf32, #tpu.memory_space<vmem>>, vector<1x16xf32>,
        %get3A_210 = vector.shape_cast %get3A_209 : vector<1x16xf32> to vector<16xf32>
        %get3A_211 = arith.index_cast %mul3A_206 : i32 to index
        %get3A_212 = arith.constant 0 : index
        %get3A_213 = tpu.vector_load %arg8[%get3A_211, %get3A_212] {strides = array<i32>} : memref<128x16xf32, #tpu.memory_space<vmem>>, vector<1x16xf32>,
        %get3A_214 = vector.shape_cast %get3A_213 : vector<1x16xf32> to vector<16xf32>
        %add3A_215 = arith.addf %get3A_210, %get3A_214 : vector<16xf32>
        %abs3A_216 = math.absf %add3A_215 : vector<16xf32>
        %add3A_217 = arith.addf %add3A_187, %abs3A_216 : vector<16xf32>
        %add3A_218 = arith.constant 1 : i32
        %add3A_219 = arith.addi %mul3A_206, %add3A_218 : i32
        %get3A_220 = arith.index_cast %add3A_219 : i32 to index
        %get3A_221 = arith.constant 0 : index
        %get3A_222 = tpu.vector_load %arg7[%get3A_220, %get3A_221] {strides = array<i32>} : memref<128x16xf32, #tpu.memory_space<vmem>>, vector<1x16xf32>,
        %get3A_223 = vector.shape_cast %get3A_222 : vector<1x16xf32> to vector<16xf32>
        %add3A_224 = arith.constant 1 : i32
        %add3A_225 = arith.addi %mul3A_206, %add3A_224 : i32
        %get3A_226 = arith.index_cast %add3A_225 : i32 to index
        %get3A_227 = arith.constant 0 : index
        %get3A_228 = tpu.vector_load %arg8[%get3A_226, %get3A_227] {strides = array<i32>} : memref<128x16xf32, #tpu.memory_space<vmem>>, vector<1x16xf32>,
        %get3A_229 = vector.shape_cast %get3A_228 : vector<1x16xf32> to vector<16xf32>
        %add3A_230 = arith.addf %get3A_223, %get3A_229 : vector<16xf32>
        %abs3A_231 = math.absf %add3A_230 : vector<16xf32>
        %add3A_232 = arith.addf %add3A_202, %abs3A_231 : vector<16xf32>
        %scan3A_233 = arith.constant 2 : i32
        %scan3A_234 = arith.addi %scan3A_174, %scan3A_233 : i32
        %mul3A_235 = arith.constant 2 : i32
        %mul3A_236 = arith.muli %scan3A_234, %mul3A_235 : i32
        %get3A_237 = arith.index_cast %mul3A_236 : i32 to index
        %get3A_238 = arith.constant 0 : index
        %get3A_239 = tpu.vector_load %arg7[%get3A_237, %get3A_238] {strides = array<i32>} : memref<128x16xf32, #tpu.memory_space<vmem>>, vector<1x16xf32>,
        %get3A_240 = vector.shape_cast %get3A_239 : vector<1x16xf32> to vector<16xf32>
        %get3A_241 = arith.index_cast %mul3A_236 : i32 to index
        %get3A_242 = arith.constant 0 : index
        %get3A_243 = tpu.vector_load %arg8[%get3A_241, %get3A_242] {strides = array<i32>} : memref<128x16xf32, #tpu.memory_space<vmem>>, vector<1x16xf32>,
        %get3A_244 = vector.shape_cast %get3A_243 : vector<1x16xf32> to vector<16xf32>
        %add3A_245 = arith.addf %get3A_240, %get3A_244 : vector<16xf32>
        %abs3A_246 = math.absf %add3A_245 : vector<16xf32>
        %add3A_247 = arith.addf %add3A_217, %abs3A_246 : vector<16xf32>
        %add3A_248 = arith.constant 1 : i32
        %add3A_249 = arith.addi %mul3A_236, %add3A_248 : i32
        %get3A_250 = arith.index_cast %add3A_249 : i32 to index
        %get3A_251 = arith.constant 0 : index
        %get3A_252 = tpu.vector_load %arg7[%get3A_250, %get3A_251] {strides = array<i32>} : memref<128x16xf32, #tpu.memory_space<vmem>>, vector<1x16xf32>,
        %get3A_253 = vector.shape_cast %get3A_252 : vector<1x16xf32> to vector<16xf32>
        %add3A_254 = arith.constant 1 : i32
        %add3A_255 = arith.addi %mul3A_236, %add3A_254 : i32
        %get3A_256 = arith.index_cast %add3A_255 : i32 to index
        %get3A_257 = arith.constant 0 : index
        %get3A_258 = tpu.vector_load %arg8[%get3A_256, %get3A_257] {strides = array<i32>} : memref<128x16xf32, #tpu.memory_space<vmem>>, vector<1x16xf32>,
        %get3A_259 = vector.shape_cast %get3A_258 : vector<1x16xf32> to vector<16xf32>
        %add3A_260 = arith.addf %get3A_253, %get3A_259 : vector<16xf32>
        %abs3A_261 = math.absf %add3A_260 : vector<16xf32>
        %add3A_262 = arith.addf %add3A_232, %abs3A_261 : vector<16xf32>
        %scan3A_263 = arith.constant 3 : i32
        %scan3A_264 = arith.addi %scan3A_174, %scan3A_263 : i32
        %mul3A_265 = arith.constant 2 : i32
        %mul3A_266 = arith.muli %scan3A_264, %mul3A_265 : i32
        %get3A_267 = arith.index_cast %mul3A_266 : i32 to index
        %get3A_268 = arith.constant 0 : index
        %get3A_269 = tpu.vector_load %arg7[%get3A_267, %get3A_268] {strides = array<i32>} : memref<128x16xf32, #tpu.memory_space<vmem>>, vector<1x16xf32>,
        %get3A_270 = vector.shape_cast %get3A_269 : vector<1x16xf32> to vector<16xf32>
        %get3A_271 = arith.index_cast %mul3A_266 : i32 to index
        %get3A_272 = arith.constant 0 : index
        %get3A_273 = tpu.vector_load %arg8[%get3A_271, %get3A_272] {strides = array<i32>} : memref<128x16xf32, #tpu.memory_space<vmem>>, vector<1x16xf32>,
        %get3A_274 = vector.shape_cast %get3A_273 : vector<1x16xf32> to vector<16xf32>
        %add3A_275 = arith.addf %get3A_270, %get3A_274 : vector<16xf32>
        %abs3A_276 = math.absf %add3A_275 : vector<16xf32>
        %add3A_277 = arith.addf %add3A_247, %abs3A_276 : vector<16xf32>
        %add3A_278 = arith.constant 1 : i32
        %add3A_279 = arith.addi %mul3A_266, %add3A_278 : i32
        %get3A_280 = arith.index_cast %add3A_279 : i32 to index
        %get3A_281 = arith.constant 0 : index
        %get3A_282 = tpu.vector_load %arg7[%get3A_280, %get3A_281] {strides = array<i32>} : memref<128x16xf32, #tpu.memory_space<vmem>>, vector<1x16xf32>,
        %get3A_283 = vector.shape_cast %get3A_282 : vector<1x16xf32> to vector<16xf32>
        %add3A_284 = arith.constant 1 : i32
        %add3A_285 = arith.addi %mul3A_266, %add3A_284 : i32
        %get3A_286 = arith.index_cast %add3A_285 : i32 to index
        %get3A_287 = arith.constant 0 : index
        %get3A_288 = tpu.vector_load %arg8[%get3A_286, %get3A_287] {strides = array<i32>} : memref<128x16xf32, #tpu.memory_space<vmem>>, vector<1x16xf32>,
        %get3A_289 = vector.shape_cast %get3A_288 : vector<1x16xf32> to vector<16xf32>
        %add3A_290 = arith.addf %get3A_283, %get3A_289 : vector<16xf32>
        %abs3A_291 = math.absf %add3A_290 : vector<16xf32>
        %add3A_292 = arith.addf %add3A_262, %abs3A_291 : vector<16xf32>
        scf.yield %add3A_277, %add3A_292 : vector<16xf32>, vector<16xf32>
      }
      %scan3A_147 = arith.constant 64 : i32
      %add3A_148 = arith.constant 2 : i32
      %add3A_149 = arith.addi %mul3A_113, %add3A_148 : i32
      %lt3A_150 = arith.cmpi slt, %add3A_149, %select_n3A_5 : i32
      %convert_element_type3A = arith.extui %lt3A_150 : i1 to i32
      %cond3A = arith.constant 0 : i32
      %cond3A_151 = arith.cmpi ne, %convert_element_type3A, %cond3A : i32
      scf.if %cond3A_151 {
        %add3A_174 = arith.constant 2 : i32
        %add3A_175 = arith.addi %mul3A_113, %add3A_174 : i32
        %mul3A_176 = arith.constant 128 : i32
        %mul3A_177 = arith.muli %add3A_175, %mul3A_176 : i32
        %add3A_178 = arith.addi %sub3A, %mul3A_177 : i32
        %dma_start3A_179 = tpu.memref_slice %arg5[%add3A_178] : memref<10240xi32, #tpu.memory_space<vmem>> -> memref<128xi32, #tpu.memory_space<vmem>>
        %dma_start3A_180 = arith.constant 0 : i32
        %dma_start3A_181 = arith.constant 0 : i32
        %dma_start3A_182 = tpu.memref_slice %arg2[%dma_start3A_180, %dma_start3A_181] : memref<20000x16xf32, #tpu.memory_space<hbm>> -> memref<20000x16xf32, #tpu.memory_space<hbm>>
        tpu.enqueue_indirect_dma source(%dma_start3A_182 : memref<20000x16xf32, #tpu.memory_space<hbm>>) target(%arg7 : memref<128x16xf32, #tpu.memory_space<vmem>>) offsets(%dma_start3A_179 : memref<128xi32, #tpu.memory_space<vmem>>) semaphore(%arg12 : memref<!tpu.dma_semaphore, #tpu.memory_space<semaphore_mem>>)
        %mul3A_183 = arith.constant 128 : i32
        %mul3A_184 = arith.muli %add3A_175, %mul3A_183 : i32
        %add3A_185 = arith.addi %sub3A, %mul3A_184 : i32
        %dma_start3A_186 = tpu.memref_slice %arg6[%add3A_185] : memref<10240xi32, #tpu.memory_space<vmem>> -> memref<128xi32, #tpu.memory_space<vmem>>
        %dma_start3A_187 = arith.constant 0 : i32
        %dma_start3A_188 = arith.constant 0 : i32
        %dma_start3A_189 = tpu.memref_slice %arg2[%dma_start3A_187, %dma_start3A_188] : memref<20000x16xf32, #tpu.memory_space<hbm>> -> memref<20000x16xf32, #tpu.memory_space<hbm>>
        tpu.enqueue_indirect_dma source(%dma_start3A_189 : memref<20000x16xf32, #tpu.memory_space<hbm>>) target(%arg8 : memref<128x16xf32, #tpu.memory_space<vmem>>) offsets(%dma_start3A_186 : memref<128xi32, #tpu.memory_space<vmem>>) semaphore(%arg13 : memref<!tpu.dma_semaphore, #tpu.memory_space<semaphore_mem>>)
      } else {
      }
      %add3A_152 = arith.constant 1 : i32
      %add3A_153 = arith.addi %mul3A_113, %add3A_152 : i32
      %mul3A_154 = arith.constant 128 : i32
      %mul3A_155 = arith.muli %add3A_153, %mul3A_154 : i32
      %add3A_156 = arith.addi %sub3A, %mul3A_155 : i32
      %dma_wait3A_157 = tpu.memref_slice %arg5[%add3A_156] : memref<10240xi32, #tpu.memory_space<vmem>> -> memref<128xi32, #tpu.memory_space<vmem>>
      %dma_wait3A_158 = arith.constant 0 : i32
      %dma_wait3A_159 = arith.constant 0 : i32
      %dma_wait3A_160 = tpu.memref_slice %arg2[%dma_wait3A_158, %dma_wait3A_159] : memref<20000x16xf32, #tpu.memory_space<hbm>> -> memref<20000x16xf32, #tpu.memory_space<hbm>>
      tpu.wait_indirect_dma semaphore(%arg14 : memref<!tpu.dma_semaphore, #tpu.memory_space<semaphore_mem>>) src(%dma_wait3A_160 : memref<20000x16xf32, #tpu.memory_space<hbm>>) dst(%arg9 : memref<128x16xf32, #tpu.memory_space<vmem>>)
      %mul3A_161 = arith.constant 128 : i32
      %mul3A_162 = arith.muli %add3A_153, %mul3A_161 : i32
      %add3A_163 = arith.addi %sub3A, %mul3A_162 : i32
      %dma_wait3A_164 = tpu.memref_slice %arg6[%add3A_163] : memref<10240xi32, #tpu.memory_space<vmem>> -> memref<128xi32, #tpu.memory_space<vmem>>
      %dma_wait3A_165 = arith.constant 0 : i32
      %dma_wait3A_166 = arith.constant 0 : i32
      %dma_wait3A_167 = tpu.memref_slice %arg2[%dma_wait3A_165, %dma_wait3A_166] : memref<20000x16xf32, #tpu.memory_space<hbm>> -> memref<20000x16xf32, #tpu.memory_space<hbm>>
      tpu.wait_indirect_dma semaphore(%arg15 : memref<!tpu.dma_semaphore, #tpu.memory_space<semaphore_mem>>) src(%dma_wait3A_167 : memref<20000x16xf32, #tpu.memory_space<hbm>>) dst(%arg10 : memref<128x16xf32, #tpu.memory_space<vmem>>)
      %scan3A_168 = arith.constant 0 : i32
      %scan3A_169 = arith.constant 64 : i32
      %scan3A_170 = arith.addi %scan3A_168, %scan3A_169 : i32
      %scan3A_171 = arith.constant 4 : i32
      %scan3A_172:2 = scf.for %scan3A_174 = %scan3A_168 to %scan3A_170 step %scan3A_171 iter_args(%scan3A_175 = %scan3A_146#0, %scan3A_176 = %scan3A_146#1) -> (vector<16xf32>, vector<16xf32>)  : i32 {
        %mul3A_177 = arith.constant 2 : i32
        %mul3A_178 = arith.muli %scan3A_174, %mul3A_177 : i32
        %get3A = arith.index_cast %mul3A_178 : i32 to index
        %get3A_179 = arith.constant 0 : index
        %get3A_180 = tpu.vector_load %arg9[%get3A, %get3A_179] {strides = array<i32>} : memref<128x16xf32, #tpu.memory_space<vmem>>, vector<1x16xf32>,
        %get3A_181 = vector.shape_cast %get3A_180 : vector<1x16xf32> to vector<16xf32>
        %get3A_182 = arith.index_cast %mul3A_178 : i32 to index
        %get3A_183 = arith.constant 0 : index
        %get3A_184 = tpu.vector_load %arg10[%get3A_182, %get3A_183] {strides = array<i32>} : memref<128x16xf32, #tpu.memory_space<vmem>>, vector<1x16xf32>,
        %get3A_185 = vector.shape_cast %get3A_184 : vector<1x16xf32> to vector<16xf32>
        %add3A_186 = arith.addf %get3A_181, %get3A_185 : vector<16xf32>
        %abs3A = math.absf %add3A_186 : vector<16xf32>
        %add3A_187 = arith.addf %scan3A_175, %abs3A : vector<16xf32>
        %add3A_188 = arith.constant 1 : i32
        %add3A_189 = arith.addi %mul3A_178, %add3A_188 : i32
        %get3A_190 = arith.index_cast %add3A_189 : i32 to index
        %get3A_191 = arith.constant 0 : index
        %get3A_192 = tpu.vector_load %arg9[%get3A_190, %get3A_191] {strides = array<i32>} : memref<128x16xf32, #tpu.memory_space<vmem>>, vector<1x16xf32>,
        %get3A_193 = vector.shape_cast %get3A_192 : vector<1x16xf32> to vector<16xf32>
        %add3A_194 = arith.constant 1 : i32
        %add3A_195 = arith.addi %mul3A_178, %add3A_194 : i32
        %get3A_196 = arith.index_cast %add3A_195 : i32 to index
        %get3A_197 = arith.constant 0 : index
        %get3A_198 = tpu.vector_load %arg10[%get3A_196, %get3A_197] {strides = array<i32>} : memref<128x16xf32, #tpu.memory_space<vmem>>, vector<1x16xf32>,
        %get3A_199 = vector.shape_cast %get3A_198 : vector<1x16xf32> to vector<16xf32>
        %add3A_200 = arith.addf %get3A_193, %get3A_199 : vector<16xf32>
        %abs3A_201 = math.absf %add3A_200 : vector<16xf32>
        %add3A_202 = arith.addf %scan3A_176, %abs3A_201 : vector<16xf32>
        %scan3A_203 = arith.constant 1 : i32
        %scan3A_204 = arith.addi %scan3A_174, %scan3A_203 : i32
        %mul3A_205 = arith.constant 2 : i32
        %mul3A_206 = arith.muli %scan3A_204, %mul3A_205 : i32
        %get3A_207 = arith.index_cast %mul3A_206 : i32 to index
        %get3A_208 = arith.constant 0 : index
        %get3A_209 = tpu.vector_load %arg9[%get3A_207, %get3A_208] {strides = array<i32>} : memref<128x16xf32, #tpu.memory_space<vmem>>, vector<1x16xf32>,
        %get3A_210 = vector.shape_cast %get3A_209 : vector<1x16xf32> to vector<16xf32>
        %get3A_211 = arith.index_cast %mul3A_206 : i32 to index
        %get3A_212 = arith.constant 0 : index
        %get3A_213 = tpu.vector_load %arg10[%get3A_211, %get3A_212] {strides = array<i32>} : memref<128x16xf32, #tpu.memory_space<vmem>>, vector<1x16xf32>,
        %get3A_214 = vector.shape_cast %get3A_213 : vector<1x16xf32> to vector<16xf32>
        %add3A_215 = arith.addf %get3A_210, %get3A_214 : vector<16xf32>
        %abs3A_216 = math.absf %add3A_215 : vector<16xf32>
        %add3A_217 = arith.addf %add3A_187, %abs3A_216 : vector<16xf32>
        %add3A_218 = arith.constant 1 : i32
        %add3A_219 = arith.addi %mul3A_206, %add3A_218 : i32
        %get3A_220 = arith.index_cast %add3A_219 : i32 to index
        %get3A_221 = arith.constant 0 : index
        %get3A_222 = tpu.vector_load %arg9[%get3A_220, %get3A_221] {strides = array<i32>} : memref<128x16xf32, #tpu.memory_space<vmem>>, vector<1x16xf32>,
        %get3A_223 = vector.shape_cast %get3A_222 : vector<1x16xf32> to vector<16xf32>
        %add3A_224 = arith.constant 1 : i32
        %add3A_225 = arith.addi %mul3A_206, %add3A_224 : i32
        %get3A_226 = arith.index_cast %add3A_225 : i32 to index
        %get3A_227 = arith.constant 0 : index
        %get3A_228 = tpu.vector_load %arg10[%get3A_226, %get3A_227] {strides = array<i32>} : memref<128x16xf32, #tpu.memory_space<vmem>>, vector<1x16xf32>,
        %get3A_229 = vector.shape_cast %get3A_228 : vector<1x16xf32> to vector<16xf32>
        %add3A_230 = arith.addf %get3A_223, %get3A_229 : vector<16xf32>
        %abs3A_231 = math.absf %add3A_230 : vector<16xf32>
        %add3A_232 = arith.addf %add3A_202, %abs3A_231 : vector<16xf32>
        %scan3A_233 = arith.constant 2 : i32
        %scan3A_234 = arith.addi %scan3A_174, %scan3A_233 : i32
        %mul3A_235 = arith.constant 2 : i32
        %mul3A_236 = arith.muli %scan3A_234, %mul3A_235 : i32
        %get3A_237 = arith.index_cast %mul3A_236 : i32 to index
        %get3A_238 = arith.constant 0 : index
        %get3A_239 = tpu.vector_load %arg9[%get3A_237, %get3A_238] {strides = array<i32>} : memref<128x16xf32, #tpu.memory_space<vmem>>, vector<1x16xf32>,
        %get3A_240 = vector.shape_cast %get3A_239 : vector<1x16xf32> to vector<16xf32>
        %get3A_241 = arith.index_cast %mul3A_236 : i32 to index
        %get3A_242 = arith.constant 0 : index
        %get3A_243 = tpu.vector_load %arg10[%get3A_241, %get3A_242] {strides = array<i32>} : memref<128x16xf32, #tpu.memory_space<vmem>>, vector<1x16xf32>,
        %get3A_244 = vector.shape_cast %get3A_243 : vector<1x16xf32> to vector<16xf32>
        %add3A_245 = arith.addf %get3A_240, %get3A_244 : vector<16xf32>
        %abs3A_246 = math.absf %add3A_245 : vector<16xf32>
        %add3A_247 = arith.addf %add3A_217, %abs3A_246 : vector<16xf32>
        %add3A_248 = arith.constant 1 : i32
        %add3A_249 = arith.addi %mul3A_236, %add3A_248 : i32
        %get3A_250 = arith.index_cast %add3A_249 : i32 to index
        %get3A_251 = arith.constant 0 : index
        %get3A_252 = tpu.vector_load %arg9[%get3A_250, %get3A_251] {strides = array<i32>} : memref<128x16xf32, #tpu.memory_space<vmem>>, vector<1x16xf32>,
        %get3A_253 = vector.shape_cast %get3A_252 : vector<1x16xf32> to vector<16xf32>
        %add3A_254 = arith.constant 1 : i32
        %add3A_255 = arith.addi %mul3A_236, %add3A_254 : i32
        %get3A_256 = arith.index_cast %add3A_255 : i32 to index
        %get3A_257 = arith.constant 0 : index
        %get3A_258 = tpu.vector_load %arg10[%get3A_256, %get3A_257] {strides = array<i32>} : memref<128x16xf32, #tpu.memory_space<vmem>>, vector<1x16xf32>,
        %get3A_259 = vector.shape_cast %get3A_258 : vector<1x16xf32> to vector<16xf32>
        %add3A_260 = arith.addf %get3A_253, %get3A_259 : vector<16xf32>
        %abs3A_261 = math.absf %add3A_260 : vector<16xf32>
        %add3A_262 = arith.addf %add3A_232, %abs3A_261 : vector<16xf32>
        %scan3A_263 = arith.constant 3 : i32
        %scan3A_264 = arith.addi %scan3A_174, %scan3A_263 : i32
        %mul3A_265 = arith.constant 2 : i32
        %mul3A_266 = arith.muli %scan3A_264, %mul3A_265 : i32
        %get3A_267 = arith.index_cast %mul3A_266 : i32 to index
        %get3A_268 = arith.constant 0 : index
        %get3A_269 = tpu.vector_load %arg9[%get3A_267, %get3A_268] {strides = array<i32>} : memref<128x16xf32, #tpu.memory_space<vmem>>, vector<1x16xf32>,
        %get3A_270 = vector.shape_cast %get3A_269 : vector<1x16xf32> to vector<16xf32>
        %get3A_271 = arith.index_cast %mul3A_266 : i32 to index
        %get3A_272 = arith.constant 0 : index
        %get3A_273 = tpu.vector_load %arg10[%get3A_271, %get3A_272] {strides = array<i32>} : memref<128x16xf32, #tpu.memory_space<vmem>>, vector<1x16xf32>,
        %get3A_274 = vector.shape_cast %get3A_273 : vector<1x16xf32> to vector<16xf32>
        %add3A_275 = arith.addf %get3A_270, %get3A_274 : vector<16xf32>
        %abs3A_276 = math.absf %add3A_275 : vector<16xf32>
        %add3A_277 = arith.addf %add3A_247, %abs3A_276 : vector<16xf32>
        %add3A_278 = arith.constant 1 : i32
        %add3A_279 = arith.addi %mul3A_266, %add3A_278 : i32
        %get3A_280 = arith.index_cast %add3A_279 : i32 to index
        %get3A_281 = arith.constant 0 : index
        %get3A_282 = tpu.vector_load %arg9[%get3A_280, %get3A_281] {strides = array<i32>} : memref<128x16xf32, #tpu.memory_space<vmem>>, vector<1x16xf32>,
        %get3A_283 = vector.shape_cast %get3A_282 : vector<1x16xf32> to vector<16xf32>
        %add3A_284 = arith.constant 1 : i32
        %add3A_285 = arith.addi %mul3A_266, %add3A_284 : i32
        %get3A_286 = arith.index_cast %add3A_285 : i32 to index
        %get3A_287 = arith.constant 0 : index
        %get3A_288 = tpu.vector_load %arg10[%get3A_286, %get3A_287] {strides = array<i32>} : memref<128x16xf32, #tpu.memory_space<vmem>>, vector<1x16xf32>,
        %get3A_289 = vector.shape_cast %get3A_288 : vector<1x16xf32> to vector<16xf32>
        %add3A_290 = arith.addf %get3A_283, %get3A_289 : vector<16xf32>
        %abs3A_291 = math.absf %add3A_290 : vector<16xf32>
        %add3A_292 = arith.addf %add3A_262, %abs3A_291 : vector<16xf32>
        scf.yield %add3A_277, %add3A_292 : vector<16xf32>, vector<16xf32>
      }
      %scan3A_173 = arith.constant 64 : i32
      scf.yield %scan3A_172#0, %scan3A_172#1 : vector<16xf32>, vector<16xf32>
    }
    %add3A_63 = arith.addf %while3A_62#0, %while3A_62#1 : vector<16xf32>
    %swap3A = arith.constant 0 : index
    %swap3A_64 = tpu.vector_load %arg11[%swap3A] {strides = array<i32>} : memref<16xf32, #tpu.memory_space<vmem>>, vector<16xf32>,
    %swap3A_65 = vector.shape_cast %swap3A_64 : vector<16xf32> to vector<16xf32>
    %swap3A_66 = vector.shape_cast %add3A_63 : vector<16xf32> to vector<16xf32>
    tpu.vector_store %arg11[%swap3A], %swap3A_66 {strides = array<i32>} : memref<16xf32, #tpu.memory_space<vmem>>, vector<16xf32>,
    %jit3A_67 = arith.constant 8 : i32
    %div3A_68 = arith.divsi %add3A, %jit3A_67 : i32
    %sign3A_69 = arith.constant 0 : i32
    %sign3A_70 = arith.cmpi sgt, %add3A, %sign3A_69 : i32
    %sign3A_71 = arith.extui %sign3A_70 : i1 to i32
    %sign3A_72 = arith.constant 0 : i32
    %sign3A_73 = arith.cmpi slt, %add3A, %sign3A_72 : i32
    %sign3A_74 = arith.extui %sign3A_73 : i1 to i32
    %sign3A_75 = arith.subi %sign3A_71, %sign3A_74 : i32
    %sign3A_76 = arith.constant 0 : i32
    %sign3A_77 = arith.cmpi sgt, %jit3A_67, %sign3A_76 : i32
    %sign3A_78 = arith.extui %sign3A_77 : i1 to i32
    %sign3A_79 = arith.constant 0 : i32
    %sign3A_80 = arith.cmpi slt, %jit3A_67, %sign3A_79 : i32
    %sign3A_81 = arith.extui %sign3A_80 : i1 to i32
    %sign3A_82 = arith.subi %sign3A_78, %sign3A_81 : i32
    %ne3A_83 = arith.cmpi ne, %sign3A_75, %sign3A_82 : i32
    %rem3A_84 = arith.remsi %add3A, %jit3A_67 : i32
    %ne3A_85 = arith.constant 0 : i32
    %ne3A_86 = arith.cmpi ne, %rem3A_84, %ne3A_85 : i32
    %and3A_87 = arith.andi %ne3A_83, %ne3A_86 : i1
    %sub3A_88 = arith.constant 1 : i32
    %sub3A_89 = arith.subi %div3A_68, %sub3A_88 : i32
    %select_n3A_90 = arith.select %and3A_87, %sub3A_89, %div3A_68 : i32
    %jit3A_91 = arith.constant 8 : i32
    %eq3A_92 = arith.constant 0 : i32
    %eq3A_93 = arith.cmpi eq, %jit3A_91, %eq3A_92 : i32
    %jit3A_94 = arith.constant 1 : i32
    %select_n3A_95 = arith.select %eq3A_93, %jit3A_94, %jit3A_91 : i32
    %rem3A_96 = arith.remsi %add3A, %select_n3A_95 : i32
    %ne3A_97 = arith.constant 0 : i32
    %ne3A_98 = arith.cmpi ne, %rem3A_96, %ne3A_97 : i32
    %lt3A_99 = arith.constant 0 : i32
    %lt3A_100 = arith.cmpi slt, %rem3A_96, %lt3A_99 : i32
    %lt3A_101 = arith.constant 0 : i32
    %lt3A_102 = arith.cmpi slt, %select_n3A_95, %lt3A_101 : i32
    %ne3A_103 = arith.xori %lt3A_100, %lt3A_102 : i1
    %and3A_104 = arith.andi %ne3A_103, %ne3A_98 : i1
    %add3A_105 = arith.addi %rem3A_96, %select_n3A_95 : i32
    %select_n3A_106 = arith.select %and3A_104, %add3A_105, %rem3A_96 : i32
    %mul3A_107 = arith.constant 16 : i32
    %mul3A_108 = arith.muli %select_n3A_106, %mul3A_107 : i32
    "tpu.region"() ({
      %run_scoped3A_109 = tpu.sem_alloc : memref<!tpu.dma_semaphore, #tpu.memory_space<semaphore_mem>>
      %dma_start3A_110 = tpu.memref_slice %arg4[%select_n3A_90, %mul3A_108] : memref<4x128xf32, #tpu.memory_space<hbm>> -> memref<1x16xf32, #tpu.memory_space<hbm>>
      %dma_start3A_111 = tpu.memref_squeeze %dma_start3A_110 : memref<1x16xf32, #tpu.memory_space<hbm>> -> memref<16xf32, #tpu.memory_space<hbm>>
      %dma_start3A_112 = tpu.memref_slice %arg4[%select_n3A_90, %mul3A_108] : memref<4x128xf32, #tpu.memory_space<hbm>> -> memref<1x16xf32, #tpu.memory_space<hbm>>
      %dma_start3A_113 = tpu.memref_squeeze %dma_start3A_112 : memref<1x16xf32, #tpu.memory_space<hbm>> -> memref<16xf32, #tpu.memory_space<hbm>>
      tpu.enqueue_dma source(%arg11 : memref<16xf32, #tpu.memory_space<vmem>>) target(%dma_start3A_113 : memref<16xf32, #tpu.memory_space<hbm>>) target_semaphore(%run_scoped3A_109 : memref<!tpu.dma_semaphore, #tpu.memory_space<semaphore_mem>>)
      %dma_wait3A = tpu.memref_slice %arg4[%select_n3A_90, %mul3A_108] : memref<4x128xf32, #tpu.memory_space<hbm>> -> memref<1x16xf32, #tpu.memory_space<hbm>>
      %dma_wait3A_114 = tpu.memref_squeeze %dma_wait3A : memref<1x16xf32, #tpu.memory_space<hbm>> -> memref<16xf32, #tpu.memory_space<hbm>>
      %dma_wait3A_115 = tpu.memref_slice %arg4[%select_n3A_90, %mul3A_108] : memref<4x128xf32, #tpu.memory_space<hbm>> -> memref<1x16xf32, #tpu.memory_space<hbm>>
      %dma_wait3A_116 = tpu.memref_squeeze %dma_wait3A_115 : memref<1x16xf32, #tpu.memory_space<hbm>> -> memref<16xf32, #tpu.memory_space<hbm>>
      tpu.wait_dma2 semaphore(%run_scoped3A_109 : memref<!tpu.dma_semaphore, #tpu.memory_space<semaphore_mem>>) src(%arg11 : memref<16xf32, #tpu.memory_space<vmem>>) dst(%dma_wait3A_116 : memref<16xf32, #tpu.memory_space<hbm>>)
      tpu.yield
    }) : () -> ()
    return
  }
}

module attributes {stable_mosaic.version = 14 : i64} {
  func.func @_tables_body(%arg0: memref<10000x128xf32, #tpu.memory_space<vmem>>, %arg1: memref<256x16xf32, #tpu.memory_space<vmem>>, %arg2: memref<1x16xf32, #tpu.memory_space<vmem>>, %arg3: memref<10000x32xf32, #tpu.memory_space<vmem>>) attributes {dimension_semantics = [], scalar_prefetch = 0 : i64, scratch_operands = 0 : i64, tpu.core_type = #tpu.core_type<tc>} {
    %get3A = arith.constant 0 : index
    %get3A_0 = arith.constant 0 : index
    %get3A_1 = vector.load %arg0[%get3A, %get3A_0] : memref<10000x128xf32, #tpu.memory_space<vmem>>, vector<10000x128xf32>
    %get3A_2 = arith.constant 0 : index
    %get3A_3 = arith.constant 0 : index
    %get3A_4 = vector.load %arg1[%get3A_2, %get3A_3] : memref<256x16xf32, #tpu.memory_space<vmem>>, vector<128x16xf32>
    %dot_general3A = arith.constant dense<0.000000e+00> : vector<10000x16xf32>
    %dot_general3A_5 = tpu.matmul %get3A_1, %get3A_4, %dot_general3A {dimension_numbers = #tpu.dot_dimension_numbers<[1], [0], [0], [1], [0, 0, 1, 1], [], []>, transpose_lhs_hint = false} : vector<10000x128xf32>, vector<128x16xf32>, vector<10000x16xf32> -> vector<10000x16xf32>
    %get3A_6 = arith.constant 0 : index
    %get3A_7 = arith.constant 0 : index
    %get3A_8 = vector.load %arg2[%get3A_6, %get3A_7] : memref<1x16xf32, #tpu.memory_space<vmem>>, vector<1x16xf32>
    %add3A = vector.broadcast %get3A_8 : vector<1x16xf32> to vector<10000x16xf32>
    %add3A_9 = arith.addf %dot_general3A_5, %add3A : vector<10000x16xf32>
    %get3A_10 = arith.constant 128 : index
    %get3A_11 = arith.constant 0 : index
    %get3A_12 = vector.load %arg1[%get3A_10, %get3A_11] : memref<256x16xf32, #tpu.memory_space<vmem>>, vector<128x16xf32>
    %dot_general3A_13 = arith.constant dense<0.000000e+00> : vector<10000x16xf32>
    %dot_general3A_14 = tpu.matmul %get3A_1, %get3A_12, %dot_general3A_13 {dimension_numbers = #tpu.dot_dimension_numbers<[1], [0], [0], [1], [0, 0, 1, 1], [], []>, transpose_lhs_hint = false} : vector<10000x128xf32>, vector<128x16xf32>, vector<10000x16xf32> -> vector<10000x16xf32>
    %concatenate3A = tpu.concatenate %add3A_9, %dot_general3A_14 in 1 : vector<10000x16xf32>, vector<10000x16xf32> -> vector<10000x32xf32>
    %swap3A = arith.constant 0 : index
    %swap3A_15 = arith.constant 0 : index
    %swap3A_16 = vector.load %arg3[%swap3A, %swap3A_15] : memref<10000x32xf32, #tpu.memory_space<vmem>>, vector<10000x32xf32>
    tpu.vector_store %arg3[%swap3A, %swap3A_15], %concatenate3A {strides = array<i32>} : memref<10000x32xf32, #tpu.memory_space<vmem>>, vector<10000x32xf32>,
    return
  }
}

module attributes {stable_mosaic.version = 14 : i64} {
  func.func @_combine_body(%arg0: memref<80x125xf32, #tpu.memory_space<vmem>>, %arg1: memref<80x125xf32, #tpu.memory_space<vmem>>, %arg2: memref<4x128xf32, #tpu.memory_space<vmem>>, %arg3: memref<1x1xf32, #tpu.memory_space<vmem>>) attributes {dimension_semantics = [], scalar_prefetch = 0 : i64, scratch_operands = 0 : i64, tpu.core_type = #tpu.core_type<tc>} {
    %get3A = arith.constant 0 : index
    %get3A_0 = arith.constant 0 : index
    %get3A_1 = vector.load %arg0[%get3A, %get3A_0] : memref<80x125xf32, #tpu.memory_space<vmem>>, vector<80x125xf32>
    %get3A_2 = arith.constant 0 : index
    %get3A_3 = arith.constant 0 : index
    %get3A_4 = vector.load %arg1[%get3A_2, %get3A_3] : memref<80x125xf32, #tpu.memory_space<vmem>>, vector<80x125xf32>
    %sub3A = arith.subf %get3A_1, %get3A_4 : vector<80x125xf32>
    %abs3A = math.absf %sub3A : vector<80x125xf32>
    %reduce_sum3A = vector.shape_cast %abs3A : vector<80x125xf32> to vector<1x80x125xf32>
    %reduce_sum3A_5 = arith.constant dense<0.000000e+00> : vector<1xf32>
    %reduce_sum3A_6 = vector.multi_reduction <add>, %reduce_sum3A, %reduce_sum3A_5 [1, 2] : vector<1x80x125xf32> to vector<1xf32>
    %reduce_sum3A_7 = vector.shape_cast %reduce_sum3A_6 : vector<1xf32> to vector<1x1x1xf32>
    %reduce_sum3A_8 = vector.extract %reduce_sum3A_7[0, 0, 0] : f32 from vector<1x1x1xf32>
    %get3A_9 = arith.constant 0 : index
    %get3A_10 = arith.constant 0 : index
    %get3A_11 = vector.load %arg2[%get3A_9, %get3A_10] : memref<4x128xf32, #tpu.memory_space<vmem>>, vector<4x128xf32>
    %reduce_sum3A_12 = vector.shape_cast %get3A_11 : vector<4x128xf32> to vector<1x4x128xf32>
    %reduce_sum3A_13 = arith.constant dense<0.000000e+00> : vector<1xf32>
    %reduce_sum3A_14 = vector.multi_reduction <add>, %reduce_sum3A_12, %reduce_sum3A_13 [1, 2] : vector<1x4x128xf32> to vector<1xf32>
    %reduce_sum3A_15 = vector.shape_cast %reduce_sum3A_14 : vector<1xf32> to vector<1x1x1xf32>
    %reduce_sum3A_16 = vector.extract %reduce_sum3A_15[0, 0, 0] : f32 from vector<1x1x1xf32>
    %div3A = arith.constant 1.000000e+04 : f32
    %div3A_17 = arith.divf %reduce_sum3A_8, %div3A : f32
    %div3A_18 = arith.constant 3.200000e+05 : f32
    %div3A_19 = arith.divf %reduce_sum3A_16, %div3A_18 : f32
    %mul3A = arith.constant 0.00999999977 : f32
    %mul3A_20 = arith.mulf %mul3A, %div3A_19 : f32
    %add3A = arith.addf %div3A_17, %mul3A_20 : f32
    %reshape3A = vector.broadcast %add3A : f32 to vector<1x1xf32>
    %swap3A = arith.constant 0 : index
    %swap3A_21 = arith.constant 0 : index
    %swap3A_22 = vector.load %arg3[%swap3A, %swap3A_21] : memref<1x1xf32, #tpu.memory_space<vmem>>, vector<1x1xf32>
    tpu.vector_store %arg3[%swap3A, %swap3A_21], %reshape3A {strides = array<i32>} : memref<1x1xf32, #tpu.memory_space<vmem>>, vector<1x1xf32>,
    return
  }
}

</mosaic_0001>

<sc_bundles>
// kernel: kernel.5.cloned.1.call-start
scs
__scs_entry_jumppad:
0x0: {  	(pc) =	sbr.rel $0x88, $3  }
0x1: {  	(tag) =	ssettag $0x0;
	lr =	simm.s32 $0x1  }
0x2: {  	[smem:$0x3F9B] =	sst lr;
	_ =	strace $0xD0000000  }
0x3: {  	_ = 	snop  }
0x4: {  	_ = 	snop  }
0x5: {  	_ = 	snop  }
0x6: {  	_ = 	snop  }
0x7: {  	_ = 	snop  }
__scs_overlays_trampoline_lowered:
0x8: {  	[smem:$0x3FAA] =	sst s0  }
0x9: {  	[smem:$0x3FAB] =	sst s1  }
0xa: {  	[smem:$0x3FAC] =	sst s2  }
0xb: {  	[smem:$0x3FAD] =	sst s3  }
0xc: {  	[smem:$0x3FAE] =	sst s4  }
0xd: {  	[smem:$0x3FAF] =	sst s5  }
0xe: {  	[smem:$0x3FB0] =	sst s6  }
0xf: {  	[smem:$0x3FB1] =	sst s7  }
0x10: {  	[smem:$0x3FB2] =	sst s8  }
0x11: {  	[smem:$0x3FB3] =	sst s9;
	s0 =	simm.s32 @!p0 $0x0  }
0x12: {  	s1 =	sld [smem:$0x3F99];
	s0 =	simm.s32 @p0 $0x1  }
0x13: {  	[smem:$0x3FB4] =	sst s0;
	s0 =	simm.s32 @!p1 $0x0  }
0x14: {  	s2 =	sld [smem:$0x3F98];
	s0 =	simm.s32 @p1 $0x1  }
0x15: {  	[smem:$0x3FB5] =	sst s0;
	s0 =	simm.s32 @!p2 $0x0  }
0x16: {  	s3 =	sld [smem:$0x3FDB];
	s0 =	simm.s32 @p2 $0x1  }
0x17: {  	s4 =	simm.s32 $0x1BF5;
	[smem:$0x3FB7] =	sst s0  }
0x18: {  	s0 =	sld [smem:$0x3F9A];
	_ =	swait.ge [sflag:s4], $0x0  }
0x19: {  	s7 =	sld [smem:$0x3F9B]  }
0x1a: {  	s8 =	sadd.s32 $0xFFFFE003, lr  }
0x1b: {  	s9 =	sadd.s32 $0xFFFFFEF7, lr;
	s5 =	simm.s32 $0xFFFFFFFF;
	p2 =	slt.u32 s8, $0xFFFFF086  }
0x1c: {  	p1 =	slt.u32 s9, $0xF7A;
	s5 =	simm.s32 @!p2 $0x0  }
0x1d: {  	s5 =	simm.s32 @p1 $0x1;
	p0 =	seq.s32 s7, s2  }
0x1e: {  	s7 =	smul.u32 @!p0 $0xF7A, s2;
	p2 =	seq.s32 @!p0 s5, $0x0  }
0x1f: {  	s9 =	smul.u32 $0xF7A, s1;
	s8 =	simm.s32 @!p0 $0x1BF5;
	p2 =	por !p2, p0  }
0x20: {  	[sflag:s8] =	ssyncset.s32 @!p0 $0xFFFFF086;
	s6 =	sadd.s32 @!p0 s3, s7;
	s7 =	simm.s32 @!p0 $0x108  }
0x21: {  	s3 =	sadd.s32 s3, s9;
	s6 =	sadd.s32 @!p0 $0x88, s6;
	s7 =	simm.s32 @p2 $0x1082  }
0x22: {  	[simem:s7], [sflag:s8] =	dma.local @!p0 [hbm:s6], $0xF7A  }
0x23: {  	s9 =	sor.u32 $0xD0000000, s2;
	s6 =	simm.s32 $0x108;
	_ =	swait.ge @!p0 [sflag:s8], $0x0  }
0x24: {  	s3 =	sadd.s32 $0x88, s3;
	s6 =	simm.s32 @!p1 $0x1082;
	[sflag:s4] =	ssyncset.s32 $0xFFFFF086  }
0x25: {  	[simem:s6], [sflag:s4] =	dma.local [hbm:s3], $0xF7A  }
0x26: {  	[smem:$0x3F9B] =	sst s1;
	(tag) =	ssettag s2;
	_ =	strace s9  }
0x27: {  	s1 =	sld [smem:$0x3FAB]  }
0x28: {  	s2 =	sld [smem:$0x3FAC]  }
0x29: {  	s4 =	sld [smem:$0x3FAE]  }
0x2a: {  	p0 =	seq.s32 s5, $0x0;
	s5 =	sld [smem:$0x3FAF]  }
0x2b: {  	s6 =	sld [smem:$0x3FB0]  }
0x2c: {  	s7 =	sld [smem:$0x3FB1]  }
0x2d: {  	s3 =	simm.s32 $0x108;
	s8 =	sld [smem:$0x3FB2]  }
0x2e: {  	s3 =	simm.s32 @!p0 $0x1082;
	s9 =	sld [smem:$0x3FB3]  }
0x2f: {  	lr =	sadd.s32 s0, s3;
	s0 =	sld [smem:$0x3FAA]  }
0x30: {  	s3 =	sld [smem:$0x3FAD]  }
0x31: {  	[smem:$0x3FB6] =	sst s10  }
0x32: {  	s10 =	sld [smem:$0x3FB4];
	_ =	sdelay $0x3  }
0x33: {  	p0 =	seq.s32 s10, $0x1;
	s10 =	sld [smem:$0x3FB6];
	_ =	sdelay $0x3  }
0x34: {  	[smem:$0x3FB6] =	sst s10  }
0x35: {  	s10 =	sld [smem:$0x3FB5];
	_ =	sdelay $0x3  }
0x36: {  	p1 =	seq.s32 s10, $0x1;
	s10 =	sld [smem:$0x3FB6];
	_ =	sdelay $0x3  }
0x37: {  	[smem:$0x3FB6] =	sst s10  }
0x38: {  	s10 =	sld [smem:$0x3FB7]  }
0x39: {  	_ = 	snop;
	(pc) =	sbr.ind lr, $3  }
0x3a: {  	_ = 	snop  }
0x3b: {  	_ = 	snop  }
0x3c: {  	p2 =	seq.s32 s10, $0x1;
	s10 =	sld [smem:$0x3FB6]  }
0x3d: {  	_ =	shalt  }
0x3e: {  	_ =	shalt  }
0x3f: {  	_ =	shalt  }
0x40: {  	_ =	shalt  }
0x41: {  	_ =	shalt  }
0x42: {  	_ =	shalt  }
0x43: {  	_ =	shalt  }
0x44: {  	_ =	shalt  }
0x45: {  	_ =	shalt  }
0x46: {  	_ =	shalt  }
0x47: {  	_ =	shalt  }
0x48: {  	_ =	shalt  }
0x49: {  	_ =	shalt  }
0x4a: {  	_ =	shalt  }
0x4b: {  	_ =	shalt  }
0x4c: {  	_ =	shalt  }
0x4d: {  	_ =	shalt  }
0x4e: {  	_ =	shalt  }
0x4f: {  	_ =	shalt  }
0x50: {  	_ =	shalt  }
0x51: {  	_ =	shalt  }
0x52: {  	_ =	shalt  }
0x53: {  	_ =	shalt  }
0x54: {  	_ =	shalt  }
0x55: {  	_ =	shalt  }
0x56: {  	_ =	shalt  }
0x57: {  	_ =	shalt  }
0x58: {  	_ =	shalt  }
0x59: {  	_ =	shalt  }
0x5a: {  	_ =	shalt  }
0x5b: {  	_ =	shalt  }
0x5c: {  	_ =	shalt  }
0x5d: {  	_ =	shalt  }
0x5e: {  	_ =	shalt  }
0x5f: {  	_ =	shalt  }
0x60: {  	_ =	shalt  }
0x61: {  	_ =	shalt  }
0x62: {  	_ =	shalt  }
0x63: {  	_ =	shalt  }
0x64: {  	_ =	shalt  }
0x65: {  	_ =	shalt  }
0x66: {  	_ =	shalt  }
0x67: {  	_ =	shalt  }
0x68: {  	_ =	shalt  }
0x69: {  	_ =	shalt  }
0x6a: {  	_ =	shalt  }
0x6b: {  	_ =	shalt  }
0x6c: {  	_ =	shalt  }
0x6d: {  	_ =	shalt  }
0x6e: {  	_ =	shalt  }
0x6f: {  	_ =	shalt  }
0x70: {  	_ =	shalt  }
0x71: {  	_ =	shalt  }
0x72: {  	_ =	shalt  }
0x73: {  	_ =	shalt  }
0x74: {  	_ =	shalt  }
0x75: {  	_ =	shalt  }
0x76: {  	_ =	shalt  }
0x77: {  	_ =	shalt  }
0x78: {  	_ =	shalt  }
0x79: {  	_ =	shalt  }
0x7a: {  	_ =	shalt  }
0x7b: {  	_ =	shalt  }
0x7c: {  	_ =	shalt  }
0x7d: {  	_ =	shalt  }
0x7e: {  	_ =	shalt  }
0x7f: {  	_ =	shalt  }
0x80: {  	_ =	shalt  }
0x81: {  	_ =	shalt  }
0x82: {  	_ =	shalt  }
0x83: {  	_ =	shalt  }
0x84: {  	_ =	shalt  }
0x85: {  	_ =	shalt  }
0x86: {  	_ =	shalt  }
0x87: {  	_ =	shalt  }
.Lfunc_end0:
.L_simem_size_0:
called_computation_lowered:
.L_overlay_start_0:
0x88: {  	s2 =	sld [smem:$0x3FD9]  }
0x89: {  	s3 =	sld [smem:$0x3FFE];
	_ =	sdelay $0x1  }
0x8a: {  	s1 =	srdreg.scid  }
0x8b: {  	s0 =	sand.u32 $0x1, s1  }
0x8c: {  	s16 =	sshll.u32 s0, $0xA;
	s2 =	sadd.s32 s3, s2  }
0x8d: {  	s2 =	sadd.s32 s2, s16  }
0x8e: {  	[smem:$0x3FC2] =	sst s2  }
0x8f: {  	_ = 	snop  }
0x90: {  	(tm) =	ssettm $0x1  }
0x91: {  	s17 =	sld [smem:$0x3FFB];
	_ =	sdelay $0x3  }
0x92: {  	_ =	strace s17  }
0x93: {  	s2 =	sld [smem:$0x3FFC];
	_ =	sdelay $0x3  }
0x94: {  	_ =	strace s2  }
0x95: {  	s2 =	sld [smem:$0x3FFD];
	_ =	sdelay $0x3  }
0x96: {  	_ =	strace s2  }
0x97: {  	_ =	strace $0x8FFFFFFF  }
0x98: {  	s18 =	sld [smem:$0x3FDB];
	_ =	sdelay $0x1  }
0x99: {  	s19 =	simm.s32 $_scs_section_size  }
0x9a: {  	s4 =	simm.s32 $_size__tile_overlayer_lowered;
	s5 =	simm.s32 $_tile_overlayer_lowered  }
0x9b: {  	s22 =	simm.s32 $0x1BFF;
	s21 =	sshll.u32 s5, $0x1;
	s2 =	sadd.s32 s19, s18  }
0x9c: {  	s6 =	simm.s32 $0x0;
	s20 =	sshll.u32 s4, $0x1;
	s4 =	sadd.s32 s21, s2  }
0x9d: {  	[timem:s6], [sflag:s22] =	dma.local [hbm:s4], s20  }
0x9e: {  	_ =	swait.ge [sflag:s22], s20  }
0x9f: {  	s3 =	ssub.s32 $0x0, s20;
	[sflag:s22] =	ssyncset.done $0x0  }
0xa0: {  	[sflag:s22] =	ssyncadd.s32 s3;
	_ =	sdelay $0x1  }
0xa1: {  	s23 =	simm.s32 $0x1B8B  }
0xa2: {  	_ =	swait.ge [sflag:s23], $0x1  }
0xa3: {  	[sflag:s23] =	ssyncset.done $0x0  }
0xa4: {  	s25 =	simm.s32 $0x1B8E;
	s24 =	sld [smem:$0x3FFE];
	[sflag:s23] =	ssyncadd.s32 $0xFFFFFFFF  }
0xa5: {  	s26 =	simm.s32 $execute0_lowered;
	[smem:$0x3FD2] =	sst s25  }
0xa6: {  	s4 =	sshll.u32 s26, $0x1;
	_ =	strace $0x80000046;
	[dreg:$0x1] =	wrdreg $0xFFFFFFFF  }
0xa7: {  	s28 =	simm.s32 $_size_execute0_lowered;
	s2 =	sadd.s32 s2, s4;
	[dreg:$0x0] =	wrdreg $0x0  }
0xa8: {  	s4 =	sshll.u32 s28, $0x1;
	[dreg:$0x2] =	wrdreg s2  }
0xa9: {  	[dreg:$0x3] =	wrdreg s4  }
0xaa: {  	[dreg:$0x4] =	wrdreg $0xC0  }
0xab: {  	_ =	task [dreg:s6], $0x5FFFF  }
0xac: {  	[dreg:$0x1] =	wrdreg $0xFFFFFFFF  }
0xad: {  	[dreg:$0x0] =	wrdreg $0x60  }
0xae: {  	[dreg:$0x2] =	wrdreg s24  }
0xaf: {  	[dreg:$0x3] =	wrdreg $0x9  }
0xb0: {  	_ =	task.clear_ibuf [dreg:s6], $0x4FFFF;
	_ =	strace $0x90000046  }
0xb1: {  	s29 =	simm.s32 $0x9;
	_ =	strace $0x80000048  }
0xb2: {  	_ =	swait.ge [sflag:s29], $0x1  }
0xb3: {  	[sflag:s29] =	ssyncadd.s32 $0xFFFFFFFF  }
0xb4: {  	_ =	strace $0x90000048  }
0xb5: {  	_ =	sfence  }
0xb6: {  	s30 =	sld [smem:$0x0];
	_ =	sdelay $0x2  }
0xb7: {  	s31 =	sshll.u32 s1, $0xD;
	s1 =	sshrl.u32 s1, $0x2  }
0xb8: {  	s3 =	sand.u32 $0x4000, s31;
	s1 =	sadd.s32 s1, s30  }
0xb9: {  	s0 =	sor.u32 s3, s0;
	s1 =	sshll.u32 s1, $0x11  }
0xba: {  	s0 =	sor.u32 s1, s0  }
0xbb: {  	s0 =	sadd.s32 $0x8F2B, s0  }
0xbc: {  	[sflag:s0] =	ssyncadd.remote.s32 $0x1  }
0xbd: {  	_ =	sfence.sel $0xFFFF  }
0xbe: {  	[dreg:$0x0] =	wrdreg $0xFFFFFFFF;
	(pc) =	sbr.abs _section_cstart, $3  }
0xbf: {  	[dreg:$0x1] =	wrdreg $0xFFFFFFFF  }
0xc0: {  	_ =	task.clear_ibuf [dreg:s6], $0x2FFFF;
	_ =	strace $0x9FFFFFFF  }
0xc1: {  	(tm) =	ssettm $0x7FFFFFFF  }
tec
execute0_lowered:
.L_overlay_start_1:
0x0: {  	(tag) =	ssettag $0x1  }
0x1: {  	s1 =	srdreg.scid  }
0x2: {  	s0 =	stileid.u32;
	s4 =	rddreg [dreg:$0x0];
	s14 =	simm.s32 $0x2800  }
0x3: {  	s15 =	simm.s32 $0x80;
	s16 =	simm.s32 $0x5000;
	s17 =	simm.s32 $0x5800  }
0x4: {  	s18 =	simm.s32 $0x6000;
	s19 =	simm.s32 $0x6800;
	s20 =	simm.s32 $0x1  }
0x5: {  	s21 =	simm.s32 $0x2;
	s22 =	simm.s32 $0x3;
	s23 =	simm.s32 $0x4  }
0x6: {  	s24 =	simm.s32 $0x7000;
	s25 =	simm.s32 $0x0;
	s7 =	sand.u32 $0x1, s1  }
0x7: {  	s26 =	smin.u32 s0, $0x2;
	s2 =	smul.u32 $0x4E, s0;
	s28 =	sshll.u32 s0, $0x2  }
0x8: {  	p1 =	sgt.u32 s0, $0x1;
	s12 =	sshll.u32 s0, $0x1;
	p0 =	seq.s32 s7, $0x0  }
0x9: {  	s1 =	sshll.u32 s26, $0x1;
	s9 =	sand.u32 $0x30, s28;
	s29 =	ssub.s32 $0x2, s7  }
0xa: {  	s30 =	sand.u32 $0x6, s12;
	s1 =	simm.s32 @p0 $0x4E4;
	s11 =	sadd.s32 s9, s4  }
0xb: {  	s10 =	sshrl.u32 s29, $0x1;
	s9 =	sor.u32 s7, s30;
	s3 =	sadd.s32 s2, s1  }
0xc: {  	s1 =	rddreg [dreg:$0x1];
	s2 =	simm.s32 $0x0;
	s13 =	ssub.s32 s29, s10  }
0xd: {  	s31 =	sshll.u32 s9, $0x1;
	s5 =	sshll.u32 s3, $0x7;
	[smem:$0x7FF] =	sst s2  }
0xe: {  	s3 =	sadd.s32 $0x600, s4;
	s11 =	sadd.s32 s31, s11;
	s6 =	smin.u32 s5, $0x4BA00  }
0xf: {  	s12 =	smax.u32 s13, $0x1;
	s13 =	simm.s32 $0x5;
	s8 =	sshrl.u32 s6, $0x3  }
0x10: {  	_ =	strace $0x80000047;
	s8 =	sadd.s32 s8, s4;
	s4 =	simm.s32 $0x4E  }
0x11: {  	s11 =	sadd.s32 $0x1DE00, s11;
	s5 =	ssub.s32 s5, s6;
	s4 =	simm.s32 @!p1 $0x50  }
0x12: {  	s10 =	sor.u32 $0x80, s5;
	s6 =	sadd.s32 $0xA400, s8;
	s4 =	simm.s32 @p0 $0x4E  }
0x13: {  	s7 =	sadd.s32 $0x14040, s8;
	s8 =	sadd.s32 $0x2800, s5;
	s9 =	sshrl.u32 s4, $0x1  }
.LBB2_1:
0x14: {  	[tilespmem:s2], [sflag:$0x5] =	stream.linear.gather [hbm4b:s6+s2], $0x2800, $0x38;
	[tilespmem:$0x7010] =	vst v63  }
0x15: {  	_ =	swait.ge [sflag:s13], $0x2800  }
0x16: {  	[sflag:s13] =	ssyncset.done $0x0  }
0x17: {  	[sflag:s13] =	ssyncadd.s32 $0xFFFFD800  }
0x18: {  	[tilespmem:s14], [sflag:$0x5] =	stream.linear.gather [hbm4b:s7+s2], $0x2800, $0x38;
	[tilespmem:$0x7010] =	vst v63  }
0x19: {  	_ =	swait.ge [sflag:s13], $0x2800  }
0x1a: {  	[sflag:s13] =	ssyncset.done $0x0  }
0x1b: {  	[sflag:s13] =	ssyncadd.s32 $0xFFFFD800  }
0x1c: {  	[tilespmem:s16], [sflag:$0x1] =	stream.indirect.gather [hbm4b:s3+s15], $0x10, s5, s15, $0xb8;
	[tilespmem:$0x7010] =	vst v63  }
0x1d: {  	s26 =	simm.s32 $0x0  }
0x1e: {  	v0 =	vimm.f32 $0.0e+00;
	v1 =	vimm.f32 $0.0e+00;
	[tilespmem:s17], [sflag:$0x2] =	stream.indirect.gather [hbm4b:s3+s15], $0x10, s8, s15, $0xb8;
	[tilespmem:$0x7010] =	vst v63  }
.LBB2_2:
0x1f: {  	s28 =	sshll.u32 s26, $0x8  }
0x20: {  	s28 =	sadd.s32 s28, s10  }
0x21: {  	[tilespmem:s18], [sflag:$0x3] =	stream.indirect.gather [hbm4b:s3+s15], $0x10, s28, s15, $0xb8;
	[tilespmem:$0x7010] =	vst v63  }
0x22: {  	s28 =	sadd.s32 $0x2800, s28  }
0x23: {  	[tilespmem:s19], [sflag:$0x4] =	stream.indirect.gather [hbm4b:s3+s15], $0x10, s28, s15, $0xb8;
	[tilespmem:$0x7010] =	vst v63  }
0x24: {  	_ =	swait.ge [sflag:s20], $0x800  }
0x25: {  	[sflag:s20] =	ssyncset.done $0x0  }
0x26: {  	[sflag:s20] =	ssyncadd.s32 $0xFFFFF800  }
0x27: {  	_ =	swait.ge [sflag:s21], $0x800  }
0x28: {  	[sflag:s21] =	ssyncset.done $0x0  }
0x29: {  	s29 =	simm.s32 $0x5040;
	[sflag:s21] =	ssyncadd.s32 $0xFFFFF800  }
0x2a: {  	s28 =	simm.s32 $0x5840;
	v2 =	vld [tilespmem:s29+$0x20]  }
0x2b: {  	v3 =	vld [tilespmem:s28+$0x20]  }
0x2c: {  	v6 =	vld [tilespmem:s29+$0x0]  }
0x2d: {  	v7 =	vld [tilespmem:s28+$0x0]  }
0x2e: {  	v10 =	vld [tilespmem:s29+$0xFFFFFFE0]  }
0x2f: {  	v13 =	vld [tilespmem:s28+$0xFFFFFFE0]  }
0x30: {  	v11 =	vld [tilespmem:s29+$0xFFFFFFC0]  }
0x31: {  	v12 =	vld [tilespmem:s28+$0xFFFFFFC0]  }
0x32: {  	v14 =	vld [tilespmem:s29+$0xFFFFFFD0]  }
0x33: {  	v15 =	vld [tilespmem:s28+$0xFFFFFFD0]  }
0x34: {  	v8 =	vld [tilespmem:s29+$0xFFFFFFF0]  }
0x35: {  	v9 =	vld [tilespmem:s28+$0xFFFFFFF0]  }
0x36: {  	v4 =	vld [tilespmem:s29+$0x10]  }
0x37: {  	v5 =	vld [tilespmem:s28+$0x10];
	v2 =	vadd.f32 v3, v2  }
0x38: {  	v12 =	vadd.f32 v12, v11;
	v11 =	vadd.f32 v15, v14;
	v3 =	vld [tilespmem:s29+$0x30]  }
0x39: {  	s30 =	simm.s32 $0x50C0;
	s29 =	simm.s32 $0x0;
	v10 =	vadd.f32 v13, v10;
	v7 =	vadd.f32 v7, v6;
	v6 =	vld [tilespmem:s28+$0x30]  }
.LBB2_3:
0x3a: {  	v13 =	vld [tilespmem:s30+$0x20];
	v12 =	vand.u32 $0x7FFFFFFF, v12;
	v11 =	vand.u32 $0x7FFFFFFF, v11;
	v8 =	vadd.f32 v9, v8;
	s28 =	sadd.s32 $0x80, s28  }
0x3b: {  	v14 =	vld [tilespmem:s28+$0x20];
	v1 =	vadd.f32 v12, v1;
	v0 =	vadd.f32 v11, v0  }
0x3c: {  	v9 =	vand.u32 $0x7FFFFFFF, v10;
	v15 =	vld [tilespmem:s30+$0x0];
	v8 =	vand.u32 $0x7FFFFFFF, v8;
	v4 =	vadd.f32 v5, v4  }
0x3d: {  	v16 =	vld [tilespmem:s28+$0x0];
	v1 =	vadd.f32 v9, v1;
	v0 =	vadd.f32 v8, v0  }
0x3e: {  	v5 =	vand.u32 $0x7FFFFFFF, v7;
	v10 =	vld [tilespmem:s30+$0xFFFFFFE0];
	v4 =	vand.u32 $0x7FFFFFFF, v4;
	v3 =	vadd.f32 v6, v3  }
0x3f: {  	v6 =	vld [tilespmem:s28+$0xFFFFFFE0];
	v1 =	vadd.f32 v5, v1;
	v0 =	vadd.f32 v4, v0  }
0x40: {  	v2 =	vand.u32 $0x7FFFFFFF, v2;
	v7 =	vld [tilespmem:s30+$0xFFFFFFC0];
	v3 =	vand.u32 $0x7FFFFFFF, v3  }
0x41: {  	v11 =	vld [tilespmem:s28+$0xFFFFFFC0];
	v1 =	vadd.f32 v2, v1;
	v0 =	vadd.f32 v3, v0  }
0x42: {  	v3 =	vld [tilespmem:s30+$0xFFFFFFD0]  }
0x43: {  	s29 =	sadd.s32 $0x4, s29;
	v17 =	vld [tilespmem:s28+$0xFFFFFFD0]  }
0x44: {  	p0 =	slt.u32 s29, $0x3C;
	v8 =	vld [tilespmem:s30+$0xFFFFFFF0]  }
.Ltmp0:
0x45: {  	v9 =	vld [tilespmem:s28+$0xFFFFFFF0];
	(pc) =	sbr.rel @p0 .LBB2_3-.Ltmp0, $4  }
0x46: {  	v4 =	vld [tilespmem:s30+$0x10]  }
0x47: {  	v2 =	vadd.f32 v14, v13;
	v5 =	vld [tilespmem:s28+$0x10]  }
0x48: {  	v12 =	vadd.f32 v11, v7;
	v11 =	vadd.f32 v17, v3;
	v3 =	vld [tilespmem:s30+$0x30]  }
0x49: {  	v10 =	vadd.f32 v6, v10;
	v7 =	vadd.f32 v16, v15;
	s30 =	sadd.s32 $0x80, s30;
	v6 =	vld [tilespmem:s28+$0x30]  }
0x4a: {  	s28 =	sshll.u32 s26, $0x1  }
0x4b: {  	s28 =	sadd.s32 $0x2, s28  }
0x4c: {  	p0 =	sge.u32 s28, s4  }
0x4d: {  	s28 =	sshll.u32 @!p0 s28, $0x7  }
0x4e: {  	s29 =	simm.s32 @!p0 $0x80;
	s30 =	simm.s32 @!p0 $0x5000;
	s28 =	sadd.s32 @!p0 s5, s28  }
0x4f: {  	[tilespmem:s30], [sflag:$0x1] =	stream.indirect.gather @!p0 [hbm4b:s3+s29], $0x10, s28, s29, $0xb8;
	[tilespmem:$0x7010] =	vst v63  }
0x50: {  	s28 =	sadd.s32 @!p0 $0x2800, s28;
	s30 =	simm.s32 @!p0 $0x5800  }
0x51: {  	[tilespmem:s30], [sflag:$0x2] =	stream.indirect.gather @!p0 [hbm4b:s3+s29], $0x10, s28, s29, $0xb8;
	[tilespmem:$0x7010] =	vst v63  }
0x52: {  	_ =	swait.ge [sflag:s22], $0x800  }
0x53: {  	[sflag:s22] =	ssyncset.done $0x0  }
0x54: {  	[sflag:s22] =	ssyncadd.s32 $0xFFFFF800  }
0x55: {  	_ =	swait.ge [sflag:s23], $0x800  }
0x56: {  	[sflag:s23] =	ssyncset.done $0x0  }
0x57: {  	s29 =	simm.s32 $0x6040;
	[sflag:s23] =	ssyncadd.s32 $0xFFFFF800  }
0x58: {  	s28 =	simm.s32 $0x6840;
	v13 =	vld [tilespmem:s29+$0x20]  }
0x59: {  	v14 =	vld [tilespmem:s28+$0x20]  }
0x5a: {  	v15 =	vld [tilespmem:s29+$0x0]  }
0x5b: {  	v16 =	vld [tilespmem:s28+$0x0]  }
0x5c: {  	v17 =	vld [tilespmem:s29+$0xFFFFFFE0]  }
0x5d: {  	v12 =	vand.u32 $0x7FFFFFFF, v12;
	v18 =	vld [tilespmem:s28+$0xFFFFFFE0]  }
0x5e: {  	v8 =	vadd.f32 v9, v8;
	v9 =	vand.u32 $0x7FFFFFFF, v11;
	v1 =	vadd.f32 v12, v1;
	v11 =	vld [tilespmem:s29+$0xFFFFFFC0]  }
0x5f: {  	v0 =	vadd.f32 v9, v0;
	v9 =	vand.u32 $0x7FFFFFFF, v10;
	v10 =	vld [tilespmem:s28+$0xFFFFFFC0]  }
0x60: {  	v4 =	vadd.f32 v5, v4;
	v5 =	vand.u32 $0x7FFFFFFF, v8;
	v1 =	vadd.f32 v9, v1;
	v8 =	vld [tilespmem:s29+$0xFFFFFFD0]  }
0x61: {  	v0 =	vadd.f32 v5, v0;
	v5 =	vand.u32 $0x7FFFFFFF, v7;
	v7 =	vld [tilespmem:s28+$0xFFFFFFD0]  }
0x62: {  	v3 =	vadd.f32 v6, v3;
	v4 =	vand.u32 $0x7FFFFFFF, v4;
	v1 =	vadd.f32 v5, v1;
	v5 =	vld [tilespmem:s29+$0xFFFFFFF0]  }
0x63: {  	v2 =	vand.u32 $0x7FFFFFFF, v2;
	v0 =	vadd.f32 v4, v0;
	v9 =	vld [tilespmem:s28+$0xFFFFFFF0]  }
0x64: {  	v3 =	vand.u32 $0x7FFFFFFF, v3;
	v1 =	vadd.f32 v2, v1;
	v4 =	vld [tilespmem:s29+$0x10]  }
0x65: {  	v2 =	vadd.f32 v3, v0;
	v6 =	vld [tilespmem:s28+$0x10];
	v0 =	vadd.f32 v14, v13  }
0x66: {  	v3 =	vld [tilespmem:s29+$0x30];
	v11 =	vadd.f32 v10, v11;
	v12 =	vadd.f32 v7, v8  }
0x67: {  	s30 =	simm.s32 $0x60C0;
	s29 =	simm.s32 $0x0;
	v10 =	vadd.f32 v18, v17;
	v8 =	vadd.f32 v16, v15;
	v7 =	vld [tilespmem:s28+$0x30]  }
.LBB2_5:
0x68: {  	v13 =	vld [tilespmem:s30+$0x20];
	v11 =	vand.u32 $0x7FFFFFFF, v11;
	v12 =	vand.u32 $0x7FFFFFFF, v12;
	v5 =	vadd.f32 v9, v5;
	s28 =	sadd.s32 $0x80, s28  }
0x69: {  	v14 =	vld [tilespmem:s28+$0x20];
	v1 =	vadd.f32 v11, v1;
	v2 =	vadd.f32 v12, v2  }
0x6a: {  	v9 =	vand.u32 $0x7FFFFFFF, v10;
	v15 =	vld [tilespmem:s30+$0x0];
	v5 =	vand.u32 $0x7FFFFFFF, v5;
	v4 =	vadd.f32 v6, v4  }
0x6b: {  	v16 =	vld [tilespmem:s28+$0x0];
	v1 =	vadd.f32 v9, v1;
	v2 =	vadd.f32 v5, v2  }
0x6c: {  	v5 =	vand.u32 $0x7FFFFFFF, v8;
	v10 =	vld [tilespmem:s30+$0xFFFFFFE0];
	v4 =	vand.u32 $0x7FFFFFFF, v4;
	v3 =	vadd.f32 v7, v3  }
0x6d: {  	v7 =	vld [tilespmem:s28+$0xFFFFFFE0];
	v1 =	vadd.f32 v5, v1;
	v2 =	vadd.f32 v4, v2  }
0x6e: {  	v0 =	vand.u32 $0x7FFFFFFF, v0;
	v8 =	vld [tilespmem:s30+$0xFFFFFFC0];
	v3 =	vand.u32 $0x7FFFFFFF, v3  }
0x6f: {  	v11 =	vld [tilespmem:s28+$0xFFFFFFC0];
	v1 =	vadd.f32 v0, v1;
	v2 =	vadd.f32 v3, v2  }
0x70: {  	v3 =	vld [tilespmem:s30+$0xFFFFFFD0]  }
0x71: {  	s29 =	sadd.s32 $0x4, s29;
	v12 =	vld [tilespmem:s28+$0xFFFFFFD0]  }
0x72: {  	p0 =	slt.u32 s29, $0x3C;
	v5 =	vld [tilespmem:s30+$0xFFFFFFF0]  }
.Ltmp1:
0x73: {  	v9 =	vld [tilespmem:s28+$0xFFFFFFF0];
	(pc) =	sbr.rel @p0 .LBB2_5-.Ltmp1, $4  }
0x74: {  	v4 =	vld [tilespmem:s30+$0x10]  }
0x75: {  	v0 =	vadd.f32 v14, v13;
	v6 =	vld [tilespmem:s28+$0x10]  }
0x76: {  	v11 =	vadd.f32 v11, v8;
	v12 =	vadd.f32 v12, v3;
	v3 =	vld [tilespmem:s30+$0x30]  }
0x77: {  	v10 =	vadd.f32 v7, v10;
	v8 =	vadd.f32 v16, v15;
	s30 =	sadd.s32 $0x80, s30;
	v7 =	vld [tilespmem:s28+$0x30]  }
0x78: {  	v11 =	vand.u32 $0x7FFFFFFF, v11;
	v12 =	vand.u32 $0x7FFFFFFF, v12;
	v5 =	vadd.f32 v9, v5  }
0x79: {  	s26 =	sadd.s32 $0x1, s26;
	v1 =	vadd.f32 v11, v1;
	v2 =	vadd.f32 v12, v2  }
0x7a: {  	v62 =	vand.u32 $0x7FFFFFFF, v10;
	p0 =	sne.s32 s26, s9;
	v5 =	vand.u32 $0x7FFFFFFF, v5;
	v4 =	vadd.f32 v6, v4  }
.Ltmp2:
0x7b: {  	v1 =	vadd.f32 v62, v1;
	v2 =	vadd.f32 v5, v2;
	(pc) =	sbr.rel @p0 .LBB2_2-.Ltmp2, $4  }
0x7c: {  	v63 =	vand.u32 $0x7FFFFFFF, v8;
	v4 =	vand.u32 $0x7FFFFFFF, v4;
	v3 =	vadd.f32 v7, v3  }
0x7d: {  	v1 =	vadd.f32 v63, v1;
	v2 =	vadd.f32 v4, v2  }
0x7e: {  	v0 =	vand.u32 $0x7FFFFFFF, v0;
	v3 =	vand.u32 $0x7FFFFFFF, v3  }
0x7f: {  	v1 =	vadd.f32 v0, v1;
	v0 =	vadd.f32 v3, v2  }
0x80: {  	_ = 	snop  }
0x81: {  	s25 =	sadd.s32 $0x1, s25;
	v0 =	vadd.f32 v0, v1  }
0x82: {  	p0 =	sne.s32 s25, s12  }
.Ltmp3:
0x83: {  	[tilespmem:$0x7000] =	vst v0;
	(pc) =	sbr.rel @p0 .LBB2_1-.Ltmp3, $4  }
0x84: {  	[hbm4b:s11+s2] =	stream.linear.scatter [tilespmem:s24], [sflag:$0x5], $0x10, $0x38;
	[tilespmem:$0x7010] =	vst v63  }
0x85: {  	_ =	swait.ge [sflag:s13], $0x10  }
0x86: {  	[sflag:s13] =	ssyncset.done $0x0  }
0x87: {  	[sflag:s13] =	ssyncadd.s32 $0xFFFFFFF0  }
0x88: {  	_ =	sfence.sel $0x180000  }
0x89: {  	[bflag:$0x0] =	sbarrier.arrive $0xFFFF  }
0x8a: {  	p0 =	sne.s32 s0, $0x0;
	_ =	strace $0x90000047  }
0x8b: {  	s0 =	sadd.s32 @!p0 $0x100000, s1;
	[bflag:$0x2] =	sbarrier.arrive $0xFFFF  }
0x8c: {  	[sflag:s0] =	ssyncadd.tile.s32 @!p0 $0x1;
	_ =	shalt  }
.Lfunc_end2:
_tile_overlayer_lowered:
.L_overlay_start_2:
0x8d: {  	(tag) =	ssettag $0x2  }
0x8e: {  	s0 =	rddreg [dreg:$0x0];
	s2 =	stileid.u32  }
0x8f: {  	s1 =	rddreg [dreg:$0x1];
	p0 =	sne.s32 s2, $0x0  }
0x90: {  	s3 =	rddreg [dreg:$0x2];
	[bflag:$0x3] =	sbarrier.arrive $0xFFFF;
	s2 =	simm.s32 @!p0 $0x1C05  }
0x91: {  	[timem:s3], [sflag:s2] =	dma.local @!p0 [hbm:s0], s1  }
0x92: {  	s0 =	simm.s32 @!p0 $0x5  }
0x93: {  	_ =	swait.ge @!p0 [sflag:s0], s1  }
0x94: {  	s1 =	ssub.s32 @!p0 $0x0, s1;
	[sflag:s0] =	ssyncset.done @!p0 $0x0  }
0x95: {  	[sflag:s0] =	ssyncadd.s32 @!p0 s1  }
0x96: {  	[bflag:$0x3] =	sbarrier.arrive $0xFFFF  }
0x97: {  	_ =	shalt  }

</sc_bundles>
